<compile_context>
chip_gen: v7x
topology: tpu7x:2x2x1
jax: 0.10.2.dev20260603
libtpu: 0.0.44.dev20260713+nightly
codegen_flags: <defaults>
</compile_context>

<pallas_src>
import functools

import jax
import jax.numpy as jnp
from jax import lax
from jax.experimental import pallas as pl
from jax.experimental.pallas import tpu as pltpu
from jax.experimental.pallas import tpu_sc as plsc

N_NODES = 10000
N_EDGES = 320000
D_IN = 128
D_HID = 128
D_OUT = 16

NC = 2
NS = 16
NW = NC * NS
E_PER_TILE = N_EDGES // NW
K = 400
ROWS_PER_TILE = N_NODES // NS

E1_PER_TILE = N_EDGES // NS
E1_STAGE = E1_PER_TILE // 2
R1 = E1_STAGE // K

R2 = E_PER_TILE // K

_mesh = plsc.VectorSubcoreMesh(core_axis_name="c", subcore_axis_name="s")



def _pair_pipeline(tab, src_v, dst_v, bufs, acc, gsem, ssem, rounds, k=K):
    def _gd(h, r):
        return pltpu.make_async_copy(
            tab.at[src_v.at[pl.ds(r * k, k)]], bufs.at[h], gsem.at[h])

    def fire_g(h, r):
        _gd(h, r).start()

    def proc(h, r):
        _gd(h, r).wait()
        pltpu.async_copy(
            bufs.at[h], acc.at[dst_v.at[pl.ds(r * k, k)]], ssem.at[h],
            add=True)

    def drain_s(h, r):
        pltpu.make_async_copy(
            bufs.at[h], acc.at[dst_v.at[pl.ds(r * k, k)]],
            ssem.at[h]).wait()

    pairs = rounds // 2
    fire_g(0, 0)
    fire_g(1, 1)

    def body(i, carry):
        proc(0, 2 * i)
        drain_s(0, 2 * i)
        fire_g(0, 2 * i + 2)
        proc(1, 2 * i + 1)
        drain_s(1, 2 * i + 1)
        fire_g(1, 2 * i + 3)
        return carry

    lax.fori_loop(0, pairs - 1, body, 0)
    if rounds % 2 == 0:
        proc(0, 2 * (pairs - 1))
        proc(1, 2 * (pairs - 1) + 1)
        drain_s(0, 2 * (pairs - 1))
        drain_s(1, 2 * (pairs - 1) + 1)
    else:
        proc(0, 2 * pairs - 2)
        drain_s(0, 2 * pairs - 2)
        fire_g(0, 2 * pairs)
        proc(1, 2 * pairs - 1)
        drain_s(1, 2 * pairs - 1)
        proc(0, 2 * pairs)
        drain_s(0, 2 * pairs)


@functools.partial(
    pl.kernel,
    out_type=jax.ShapeDtypeStruct((NC, N_NODES, 16), jnp.float32),
    mesh=_mesh,
    compiler_params=pltpu.CompilerParams(use_tc_tiling_on_sc=False),
    scratch_types=[
        pltpu.VMEM((E_PER_TILE,), jnp.int32),
        pltpu.VMEM((K, 16), jnp.float32),
        pltpu.VMEM_SHARED((N_NODES, 16), jnp.float32),
        pltpu.SemaphoreType.DMA,
    ],
)
def _sc_degree(dst_hbm, zeros_hbm, out_hbm, dst_v, ones_v, acc, ssem):
    c = lax.axis_index("c")
    s = lax.axis_index("s")
    wid = s * NC + c
    pltpu.sync_copy(dst_hbm.at[pl.ds(wid * E_PER_TILE, E_PER_TILE)], dst_v)

    def fill(i, carry):
        ones_v[i, :] = jnp.full((16,), 1.0, jnp.float32)
        return carry

    lax.fori_loop(0, K, fill, 0)
    pltpu.sync_copy(
        zeros_hbm.at[pl.ds(s * ROWS_PER_TILE, ROWS_PER_TILE)],
        acc.at[pl.ds(s * ROWS_PER_TILE, ROWS_PER_TILE)],
    )
    plsc.subcore_barrier()

    def body(r, carry):
        pltpu.async_copy(
            ones_v, acc.at[dst_v.at[pl.ds(r * K, K)]], ssem, add=True)
        return carry

    lax.fori_loop(0, R2, body, 0)

    def dbody(r, carry):
        pltpu.make_async_copy(
            ones_v, acc.at[dst_v.at[pl.ds(r * K, K)]], ssem).wait()
        return carry

    lax.fori_loop(0, R2, dbody, 0)
    plsc.subcore_barrier()
    pltpu.sync_copy(
        acc.at[pl.ds(s * ROWS_PER_TILE, ROWS_PER_TILE)],
        out_hbm.at[c, pl.ds(s * ROWS_PER_TILE, ROWS_PER_TILE)],
    )


K1 = 80
R1E = E_PER_TILE // K1


@functools.partial(
    pl.kernel,
    out_type=jax.ShapeDtypeStruct((NC, N_NODES, D_HID), jnp.float32),
    mesh=_mesh,
    compiler_params=pltpu.CompilerParams(use_tc_tiling_on_sc=False),
    scratch_types=[
        pltpu.VMEM((E_PER_TILE,), jnp.int32),
        pltpu.VMEM((E_PER_TILE,), jnp.int32),
        pltpu.VMEM((2, K1, D_HID), jnp.float32),
        pltpu.VMEM_SHARED((N_NODES, D_HID), jnp.float32),
        pltpu.SemaphoreType.DMA((2,)),
        pltpu.SemaphoreType.DMA((2,)),
    ],
)
def _sc_conv128(src_hbm, dst_hbm, z_hbm, zeros_hbm, out_hbm,
                src_v, dst_v, bufs, acc, gsem, ssem):
    c = lax.axis_index("c")
    s = lax.axis_index("s")
    wid = s * NC + c
    pltpu.sync_copy(src_hbm.at[pl.ds(wid * E_PER_TILE, E_PER_TILE)], src_v)
    pltpu.sync_copy(dst_hbm.at[pl.ds(wid * E_PER_TILE, E_PER_TILE)], dst_v)
    pltpu.sync_copy(
        zeros_hbm.at[pl.ds(s * ROWS_PER_TILE, ROWS_PER_TILE)],
        acc.at[pl.ds(s * ROWS_PER_TILE, ROWS_PER_TILE)],
    )
    plsc.subcore_barrier()
    _pair_pipeline(z_hbm, src_v, dst_v, bufs, acc, gsem, ssem, R1E, k=K1)
    plsc.subcore_barrier()
    pltpu.sync_copy(
        acc.at[pl.ds(s * ROWS_PER_TILE, ROWS_PER_TILE)],
        out_hbm.at[c, pl.ds(s * ROWS_PER_TILE, ROWS_PER_TILE)],
    )


@functools.partial(
    pl.kernel,
    out_type=jax.ShapeDtypeStruct((NC, N_NODES, D_OUT), jnp.float32),
    mesh=_mesh,
    compiler_params=pltpu.CompilerParams(use_tc_tiling_on_sc=False),
    scratch_types=[
        pltpu.VMEM((E_PER_TILE,), jnp.int32),
        pltpu.VMEM((E_PER_TILE,), jnp.int32),
        pltpu.VMEM((2, K, D_OUT), jnp.float32),
        pltpu.VMEM_SHARED((N_NODES, D_OUT), jnp.float32),
        pltpu.SemaphoreType.DMA((2,)),
        pltpu.SemaphoreType.DMA((2,)),
    ],
)
def _sc_conv16(src_hbm, dst_hbm, z_hbm, zeros_hbm, out_hbm,
               src_v, dst_v, bufs, acc, gsem, ssem):
    c = lax.axis_index("c")
    s = lax.axis_index("s")
    wid = s * NC + c
    pltpu.sync_copy(src_hbm.at[pl.ds(wid * E_PER_TILE, E_PER_TILE)], src_v)
    pltpu.sync_copy(dst_hbm.at[pl.ds(wid * E_PER_TILE, E_PER_TILE)], dst_v)
    pltpu.sync_copy(
        zeros_hbm.at[pl.ds(s * ROWS_PER_TILE, ROWS_PER_TILE)],
        acc.at[pl.ds(s * ROWS_PER_TILE, ROWS_PER_TILE)],
    )
    plsc.subcore_barrier()
    _pair_pipeline(z_hbm, src_v, dst_v, bufs, acc, gsem, ssem, R2)
    plsc.subcore_barrier()
    pltpu.sync_copy(
        acc.at[pl.ds(s * ROWS_PER_TILE, ROWS_PER_TILE)],
        out_hbm.at[c, pl.ds(s * ROWS_PER_TILE, ROWS_PER_TILE)],
    )



BLK = 1000
GRID = (N_NODES // BLK,)


def _dis_from(degp_ref):
    deg = degp_ref[0, :, 0:1] + degp_ref[1, :, 0:1] + 1.0
    return lax.rsqrt(deg)


def _lin1_body(x_ref, w_ref, degp_ref, z_ref):
    y = jnp.dot(x_ref[...], w_ref[...], preferred_element_type=jnp.float32)
    z_ref[...] = y * _dis_from(degp_ref)


def _tc_lin1(feature, W1, degp):
    return pl.pallas_call(
        _lin1_body,
        grid=GRID,
        in_specs=[
            pl.BlockSpec((BLK, D_IN), lambda i: (i, 0)),
            pl.BlockSpec((D_IN, D_HID), lambda i: (0, 0)),
            pl.BlockSpec((NC, BLK, 16), lambda i: (0, i, 0)),
        ],
        out_specs=pl.BlockSpec((BLK, D_HID), lambda i: (i, 0)),
        out_shape=jax.ShapeDtypeStruct((N_NODES, D_HID), jnp.float32),
    )(feature, W1, degp)


def _mid_body(z1_ref, p_ref, degp_ref, b1_ref, w2_ref, o_ref):
    dis = _dis_from(degp_ref)
    accv = z1_ref[...] + p_ref[0] + p_ref[1]
    h = jnp.maximum(accv * dis + b1_ref[...], 0.0)
    y2 = jnp.dot(h, w2_ref[...], preferred_element_type=jnp.float32)
    o_ref[...] = y2 * dis


def _tc_mid(z1, p, degp, b1, W2):
    return pl.pallas_call(
        _mid_body,
        grid=GRID,
        in_specs=[
            pl.BlockSpec((BLK, D_HID), lambda i: (i, 0)),
            pl.BlockSpec((NC, BLK, D_HID), lambda i: (0, i, 0)),
            pl.BlockSpec((NC, BLK, 16), lambda i: (0, i, 0)),
            pl.BlockSpec((1, D_HID), lambda i: (0, 0)),
            pl.BlockSpec((D_HID, D_OUT), lambda i: (0, 0)),
        ],
        out_specs=pl.BlockSpec((BLK, D_OUT), lambda i: (i, 0)),
        out_shape=jax.ShapeDtypeStruct((N_NODES, D_OUT), jnp.float32),
    )(z1, p, degp, b1, W2)


def _final_body(z2_ref, q_ref, degp_ref, b2_ref, o_ref):
    dis = _dis_from(degp_ref)
    accv = z2_ref[...] + q_ref[0] + q_ref[1]
    o_ref[...] = accv * dis + b2_ref[...]


def _tc_final(z2, q, degp, b2):
    return pl.pallas_call(
        _final_body,
        grid=GRID,
        in_specs=[
            pl.BlockSpec((BLK, D_OUT), lambda i: (i, 0)),
            pl.BlockSpec((NC, BLK, D_OUT), lambda i: (0, i, 0)),
            pl.BlockSpec((NC, BLK, 16), lambda i: (0, i, 0)),
            pl.BlockSpec((1, D_OUT), lambda i: (0, 0)),
        ],
        out_specs=pl.BlockSpec((BLK, D_OUT), lambda i: (i, 0)),
        out_shape=jax.ShapeDtypeStruct((N_NODES, D_OUT), jnp.float32),
    )(z2, q, degp, b2)



def kernel(edge, feature, W1, b1, W2, b2):
    edge = edge.astype(jnp.int32)
    src1 = edge[0]
    dst1 = edge[1]
    zeros128 = jnp.zeros((N_NODES, D_HID), jnp.float32)
    zeros16 = jnp.zeros((N_NODES, 16), jnp.float32)

    degp = _sc_degree(dst1, zeros16)
    z1 = _tc_lin1(feature, W1, degp)
    p = _sc_conv128(src1, dst1, z1, zeros128)
    z2 = _tc_mid(z1, p, degp, b1.reshape(1, -1), W2)
    q = _sc_conv16(src1, dst1, z2, zeros16)
    return _tc_final(z2, q, degp, b2.reshape(1, -1))

# --- scband reference (transcript-rebuilt; emitter-appended) ---
"""Pipeline reference for scband-critic-403726926482 (READ-ONLY COPY).

The authoritative reference and input builder live on the scoring server;
editing this copy changes nothing except your own understanding.
"""

import jax, jax.numpy as jnp
import numpy as np

N_NODES = 10000
N_EDGES = 320000
D_IN = 128
D_HID = 128
D_OUT = 16


def _gcn_conv(x, src, dst, W, b, num_nodes):
    # linear transform first (PyG GCNConv applies lin before propagate)
    x = x @ W
    # add self-loops
    loop = jnp.arange(num_nodes, dtype=src.dtype)
    s = jnp.concatenate([src, loop])
    d = jnp.concatenate([dst, loop])
    # symmetric normalization deg^-1/2 * deg^-1/2
    deg = jnp.zeros((num_nodes,), dtype=x.dtype).at[d].add(1.0)
    deg_inv_sqrt = jnp.where(deg > 0, deg ** -0.5, 0.0)
    norm = deg_inv_sqrt[s] * deg_inv_sqrt[d]
    msg = x[s] * norm[:, None]
    out = jnp.zeros((num_nodes, x.shape[1]), dtype=x.dtype).at[d].add(msg)
    return out + b


def setup_inputs(seed: int = 0) -> dict:
    key = jax.random.key(seed)
    k1, k2, k3, k4, k5, k6 = jax.random.split(key, 6)
    edge = jax.random.randint(k1, (2, N_EDGES), 0, N_NODES, dtype=jnp.int64 if jax.config.jax_enable_x64 else jnp.int32)
    feature = jax.random.normal(k2, (N_NODES, D_IN), dtype=jnp.float32)
    # glorot-style init for GCN weights
    W1 = jax.random.normal(k3, (D_IN, D_HID), dtype=jnp.float32) * (1.0 / np.sqrt(D_IN))
    b1 = jnp.zeros((D_HID,), dtype=jnp.float32)
    W2 = jax.random.normal(k4, (D_HID, D_OUT), dtype=jnp.float32) * (1.0 / np.sqrt(D_HID))
    b2 = jnp.zeros((D_OUT,), dtype=jnp.float32)
    return {"edge": edge, "feature": feature, "W1": W1, "b1": b1, "W2": W2, "b2": b2}


def reference(edge, feature, W1, b1, W2, b2):
    src = edge[0]
    dst = edge[1]
    x = _gcn_conv(feature, src, dst, W1, b1, N_NODES)
    x = jax.nn.relu(x)
    # dropout with training=self.training: module assumed in eval mode -> identity
    x = _gcn_conv(x, src, dst, W2, b2, N_NODES)
    return x

if __name__ == "__main__":
    import jax
    _d = setup_inputs()
    print(jax.jit(kernel)(*tuple(_d.values())))

</pallas_src>

<mosaic_0001>
#map = affine_map<(d0, d1) -> (0)>
#map1 = affine_map<(d0, d1) -> (0, 0)>
#map2 = affine_map<(d0, d1) -> (0, 0, 0)>
module attributes {stable_mosaic.version = 14 : i64} {
  func.func @_sc_conv128(%arg0: i32, %arg1: i32, %arg2: memref<320000xi32, #tpu.memory_space<hbm>>, %arg3: memref<320000xi32, #tpu.memory_space<hbm>>, %arg4: memref<10000x128xf32, #tpu.memory_space<hbm>>, %arg5: memref<10000x128xf32, #tpu.memory_space<hbm>>, %arg6: memref<2x10000x128xf32, #tpu.memory_space<hbm>>, %arg7: memref<10000xi32, #tpu.memory_space<vmem>>, %arg8: memref<10000xi32, #tpu.memory_space<vmem>>, %arg9: memref<2x80x128xf32, #tpu.memory_space<vmem>>, %arg10: memref<10000x128xf32, #tpu.memory_space<vmem_shared>>, %arg11: memref<2x!tpu.dma_semaphore, #tpu.memory_space<semaphore_mem>>, %arg12: memref<2x!tpu.dma_semaphore, #tpu.memory_space<semaphore_mem>>) attributes {dimension_semantics = [#tpu.dimension_semantics<core_parallel>, #tpu.dimension_semantics<subcore_parallel>], iteration_bounds = array<i64: 2, 16>, scalar_prefetch = 0 : i64, scratch_operands = 6 : i64, tpu.core_type = #tpu.core_type<sc_vector_subcore>, window_params = [{transform_indices = #map}, {transform_indices = #map}, {transform_indices = #map1}, {transform_indices = #map1}, {transform_indices = #map2}]} {
    %mul3A = arith.constant 2 : i32
    %mul3A_0 = arith.muli %arg1, %mul3A : i32
    %add3A = arith.addi %mul3A_0, %arg0 : i32
    %mul3A_1 = arith.constant 10000 : i32
    %mul3A_2 = arith.muli %add3A, %mul3A_1 : i32
    "tpu.region"() ({
      %run_scoped3A = tpu.sem_alloc : memref<!tpu.dma_semaphore, #tpu.memory_space<semaphore_mem>>
      %dma_start3A_173 = tpu.memref_slice %arg2[%mul3A_2] : memref<320000xi32, #tpu.memory_space<hbm>> -> memref<10000xi32, #tpu.memory_space<hbm>>
      %dma_start3A_174 = tpu.memref_slice %arg2[%mul3A_2] : memref<320000xi32, #tpu.memory_space<hbm>> -> memref<10000xi32, #tpu.memory_space<hbm>>
      tpu.enqueue_dma source(%dma_start3A_174 : memref<10000xi32, #tpu.memory_space<hbm>>) target(%arg7 : memref<10000xi32, #tpu.memory_space<vmem>>) target_semaphore(%run_scoped3A : memref<!tpu.dma_semaphore, #tpu.memory_space<semaphore_mem>>)
      %dma_wait3A_175 = tpu.memref_slice %arg2[%mul3A_2] : memref<320000xi32, #tpu.memory_space<hbm>> -> memref<10000xi32, #tpu.memory_space<hbm>>
      %dma_wait3A_176 = tpu.memref_slice %arg2[%mul3A_2] : memref<320000xi32, #tpu.memory_space<hbm>> -> memref<10000xi32, #tpu.memory_space<hbm>>
      tpu.wait_dma2 semaphore(%run_scoped3A : memref<!tpu.dma_semaphore, #tpu.memory_space<semaphore_mem>>) src(%dma_wait3A_176 : memref<10000xi32, #tpu.memory_space<hbm>>) dst(%arg7 : memref<10000xi32, #tpu.memory_space<vmem>>)
      tpu.yield
    }) : () -> ()
    %mul3A_3 = arith.constant 10000 : i32
    %mul3A_4 = arith.muli %add3A, %mul3A_3 : i32
    "tpu.region"() ({
      %run_scoped3A = tpu.sem_alloc : memref<!tpu.dma_semaphore, #tpu.memory_space<semaphore_mem>>
      %dma_start3A_173 = tpu.memref_slice %arg3[%mul3A_4] : memref<320000xi32, #tpu.memory_space<hbm>> -> memref<10000xi32, #tpu.memory_space<hbm>>
      %dma_start3A_174 = tpu.memref_slice %arg3[%mul3A_4] : memref<320000xi32, #tpu.memory_space<hbm>> -> memref<10000xi32, #tpu.memory_space<hbm>>
      tpu.enqueue_dma source(%dma_start3A_174 : memref<10000xi32, #tpu.memory_space<hbm>>) target(%arg8 : memref<10000xi32, #tpu.memory_space<vmem>>) target_semaphore(%run_scoped3A : memref<!tpu.dma_semaphore, #tpu.memory_space<semaphore_mem>>)
      %dma_wait3A_175 = tpu.memref_slice %arg3[%mul3A_4] : memref<320000xi32, #tpu.memory_space<hbm>> -> memref<10000xi32, #tpu.memory_space<hbm>>
      %dma_wait3A_176 = tpu.memref_slice %arg3[%mul3A_4] : memref<320000xi32, #tpu.memory_space<hbm>> -> memref<10000xi32, #tpu.memory_space<hbm>>
      tpu.wait_dma2 semaphore(%run_scoped3A : memref<!tpu.dma_semaphore, #tpu.memory_space<semaphore_mem>>) src(%dma_wait3A_176 : memref<10000xi32, #tpu.memory_space<hbm>>) dst(%arg8 : memref<10000xi32, #tpu.memory_space<vmem>>)
      tpu.yield
    }) : () -> ()
    %mul3A_5 = arith.constant 625 : i32
    %mul3A_6 = arith.muli %arg1, %mul3A_5 : i32
    %mul3A_7 = arith.constant 625 : i32
    %mul3A_8 = arith.muli %arg1, %mul3A_7 : i32
    "tpu.region"() ({
      %run_scoped3A = tpu.sem_alloc : memref<!tpu.dma_semaphore, #tpu.memory_space<semaphore_mem>>
      %dma_start3A_173 = arith.constant 0 : i32
      %dma_start3A_174 = tpu.memref_slice %arg10[%mul3A_8, %dma_start3A_173] : memref<10000x128xf32, #tpu.memory_space<vmem_shared>> -> memref<625x128xf32, #tpu.memory_space<vmem_shared>>
      %dma_start3A_175 = arith.constant 0 : i32
      %dma_start3A_176 = tpu.memref_slice %arg5[%mul3A_6, %dma_start3A_175] : memref<10000x128xf32, #tpu.memory_space<hbm>> -> memref<625x128xf32, #tpu.memory_space<hbm>>
      tpu.enqueue_dma source(%dma_start3A_176 : memref<625x128xf32, #tpu.memory_space<hbm>>) target(%dma_start3A_174 : memref<625x128xf32, #tpu.memory_space<vmem_shared>>) target_semaphore(%run_scoped3A : memref<!tpu.dma_semaphore, #tpu.memory_space<semaphore_mem>>)
      %dma_wait3A_177 = arith.constant 0 : i32
      %dma_wait3A_178 = tpu.memref_slice %arg10[%mul3A_8, %dma_wait3A_177] : memref<10000x128xf32, #tpu.memory_space<vmem_shared>> -> memref<625x128xf32, #tpu.memory_space<vmem_shared>>
      %dma_wait3A_179 = arith.constant 0 : i32
      %dma_wait3A_180 = tpu.memref_slice %arg5[%mul3A_6, %dma_wait3A_179] : memref<10000x128xf32, #tpu.memory_space<hbm>> -> memref<625x128xf32, #tpu.memory_space<hbm>>
      tpu.wait_dma2 semaphore(%run_scoped3A : memref<!tpu.dma_semaphore, #tpu.memory_space<semaphore_mem>>) src(%dma_wait3A_180 : memref<625x128xf32, #tpu.memory_space<hbm>>) dst(%dma_wait3A_178 : memref<625x128xf32, #tpu.memory_space<vmem_shared>>)
      tpu.yield
    }) : () -> ()
    %barrier3A = arith.constant 0 : index
    tpu.barrier barrier_id(%barrier3A)
    %dma_start3A = arith.constant 0 : i32
    %dma_start3A_9 = arith.constant 0 : i32
    %dma_start3A_10 = arith.constant 0 : i32
    %dma_start3A_11 = arith.constant 0 : i32
    %dma_start3A_12 = tpu.memref_slice %arg9[%dma_start3A, %dma_start3A_10, %dma_start3A_11] : memref<2x80x128xf32, #tpu.memory_space<vmem>> -> memref<1x80x128xf32, #tpu.memory_space<vmem>>
    %dma_start3A_13 = tpu.memref_squeeze %dma_start3A_12 : memref<1x80x128xf32, #tpu.memory_space<vmem>> -> memref<80x128xf32, #tpu.memory_space<vmem>>
    %dma_start3A_14 = arith.constant 0 : i32
    %dma_start3A_15 = tpu.memref_slice %arg7[%dma_start3A_14] : memref<10000xi32, #tpu.memory_space<vmem>> -> memref<80xi32, #tpu.memory_space<vmem>>
    %dma_start3A_16 = arith.constant 0 : i32
    %dma_start3A_17 = arith.constant 0 : i32
    %dma_start3A_18 = tpu.memref_slice %arg4[%dma_start3A_16, %dma_start3A_17] : memref<10000x128xf32, #tpu.memory_space<hbm>> -> memref<10000x128xf32, #tpu.memory_space<hbm>>
    %dma_start3A_19 = tpu.memref_slice %arg11[%dma_start3A_9] : memref<2x!tpu.dma_semaphore, #tpu.memory_space<semaphore_mem>> -> memref<1x!tpu.dma_semaphore, #tpu.memory_space<semaphore_mem>>
    %dma_start3A_20 = tpu.memref_squeeze %dma_start3A_19 : memref<1x!tpu.dma_semaphore, #tpu.memory_space<semaphore_mem>> -> memref<!tpu.dma_semaphore, #tpu.memory_space<semaphore_mem>>
    tpu.enqueue_indirect_dma source(%dma_start3A_18 : memref<10000x128xf32, #tpu.memory_space<hbm>>) target(%dma_start3A_13 : memref<80x128xf32, #tpu.memory_space<vmem>>) offsets(%dma_start3A_15 : memref<80xi32, #tpu.memory_space<vmem>>) semaphore(%dma_start3A_20 : memref<!tpu.dma_semaphore, #tpu.memory_space<semaphore_mem>>)
    %dma_start3A_21 = arith.constant 1 : i32
    %dma_start3A_22 = arith.constant 1 : i32
    %dma_start3A_23 = arith.constant 0 : i32
    %dma_start3A_24 = arith.constant 0 : i32
    %dma_start3A_25 = tpu.memref_slice %arg9[%dma_start3A_21, %dma_start3A_23, %dma_start3A_24] : memref<2x80x128xf32, #tpu.memory_space<vmem>> -> memref<1x80x128xf32, #tpu.memory_space<vmem>>
    %dma_start3A_26 = tpu.memref_squeeze %dma_start3A_25 : memref<1x80x128xf32, #tpu.memory_space<vmem>> -> memref<80x128xf32, #tpu.memory_space<vmem>>
    %dma_start3A_27 = arith.constant 80 : i32
    %dma_start3A_28 = tpu.memref_slice %arg7[%dma_start3A_27] : memref<10000xi32, #tpu.memory_space<vmem>> -> memref<80xi32, #tpu.memory_space<vmem>>
    %dma_start3A_29 = arith.constant 0 : i32
    %dma_start3A_30 = arith.constant 0 : i32
    %dma_start3A_31 = tpu.memref_slice %arg4[%dma_start3A_29, %dma_start3A_30] : memref<10000x128xf32, #tpu.memory_space<hbm>> -> memref<10000x128xf32, #tpu.memory_space<hbm>>
    %dma_start3A_32 = tpu.memref_slice %arg11[%dma_start3A_22] : memref<2x!tpu.dma_semaphore, #tpu.memory_space<semaphore_mem>> -> memref<1x!tpu.dma_semaphore, #tpu.memory_space<semaphore_mem>>
    %dma_start3A_33 = tpu.memref_squeeze %dma_start3A_32 : memref<1x!tpu.dma_semaphore, #tpu.memory_space<semaphore_mem>> -> memref<!tpu.dma_semaphore, #tpu.memory_space<semaphore_mem>>
    tpu.enqueue_indirect_dma source(%dma_start3A_31 : memref<10000x128xf32, #tpu.memory_space<hbm>>) target(%dma_start3A_26 : memref<80x128xf32, #tpu.memory_space<vmem>>) offsets(%dma_start3A_28 : memref<80xi32, #tpu.memory_space<vmem>>) semaphore(%dma_start3A_33 : memref<!tpu.dma_semaphore, #tpu.memory_space<semaphore_mem>>)
    %scan3A = arith.constant 0 : i32
    %scan3A_34 = arith.constant 0 : i32
    %scan3A_35 = arith.constant 61 : i32
    %scan3A_36 = arith.addi %scan3A_34, %scan3A_35 : i32
    %scan3A_37 = arith.constant 1 : i32
    scf.for %scan3A_173 = %scan3A_34 to %scan3A_36 step %scan3A_37  : i32 {
      %mul3A_174 = arith.constant 2 : i32
      %mul3A_175 = arith.muli %mul3A_174, %scan3A_173 : i32
      %mul3A_176 = arith.constant 80 : i32
      %mul3A_177 = arith.muli %mul3A_175, %mul3A_176 : i32
      %dma_wait3A_178 = arith.constant 0 : i32
      %dma_wait3A_179 = arith.constant 0 : i32
      %dma_wait3A_180 = arith.constant 0 : i32
      %dma_wait3A_181 = arith.constant 0 : i32
      %dma_wait3A_182 = tpu.memref_slice %arg9[%dma_wait3A_178, %dma_wait3A_180, %dma_wait3A_181] : memref<2x80x128xf32, #tpu.memory_space<vmem>> -> memref<1x80x128xf32, #tpu.memory_space<vmem>>
      %dma_wait3A_183 = tpu.memref_squeeze %dma_wait3A_182 : memref<1x80x128xf32, #tpu.memory_space<vmem>> -> memref<80x128xf32, #tpu.memory_space<vmem>>
      %dma_wait3A_184 = tpu.memref_slice %arg7[%mul3A_177] : memref<10000xi32, #tpu.memory_space<vmem>> -> memref<80xi32, #tpu.memory_space<vmem>>
      %dma_wait3A_185 = arith.constant 0 : i32
      %dma_wait3A_186 = arith.constant 0 : i32
      %dma_wait3A_187 = tpu.memref_slice %arg4[%dma_wait3A_185, %dma_wait3A_186] : memref<10000x128xf32, #tpu.memory_space<hbm>> -> memref<10000x128xf32, #tpu.memory_space<hbm>>
      %dma_wait3A_188 = tpu.memref_slice %arg11[%dma_wait3A_179] : memref<2x!tpu.dma_semaphore, #tpu.memory_space<semaphore_mem>> -> memref<1x!tpu.dma_semaphore, #tpu.memory_space<semaphore_mem>>
      %dma_wait3A_189 = tpu.memref_squeeze %dma_wait3A_188 : memref<1x!tpu.dma_semaphore, #tpu.memory_space<semaphore_mem>> -> memref<!tpu.dma_semaphore, #tpu.memory_space<semaphore_mem>>
      tpu.wait_indirect_dma semaphore(%dma_wait3A_189 : memref<!tpu.dma_semaphore, #tpu.memory_space<semaphore_mem>>) src(%dma_wait3A_187 : memref<10000x128xf32, #tpu.memory_space<hbm>>) dst(%dma_wait3A_183 : memref<80x128xf32, #tpu.memory_space<vmem>>)
      %mul3A_190 = arith.constant 80 : i32
      %mul3A_191 = arith.muli %mul3A_175, %mul3A_190 : i32
      %dma_start3A_192 = arith.constant 0 : i32
      %dma_start3A_193 = arith.constant 0 : i32
      %dma_start3A_194 = arith.constant 0 : i32
      %dma_start3A_195 = arith.constant 0 : i32
      %dma_start3A_196 = tpu.memref_slice %arg9[%dma_start3A_192, %dma_start3A_194, %dma_start3A_195] : memref<2x80x128xf32, #tpu.memory_space<vmem>> -> memref<1x80x128xf32, #tpu.memory_space<vmem>>
      %dma_start3A_197 = tpu.memref_squeeze %dma_start3A_196 : memref<1x80x128xf32, #tpu.memory_space<vmem>> -> memref<80x128xf32, #tpu.memory_space<vmem>>
      %dma_start3A_198 = tpu.memref_slice %arg8[%mul3A_191] : memref<10000xi32, #tpu.memory_space<vmem>> -> memref<80xi32, #tpu.memory_space<vmem>>
      %dma_start3A_199 = arith.constant 0 : i32
      %dma_start3A_200 = arith.constant 0 : i32
      %dma_start3A_201 = tpu.memref_slice %arg10[%dma_start3A_199, %dma_start3A_200] : memref<10000x128xf32, #tpu.memory_space<vmem_shared>> -> memref<10000x128xf32, #tpu.memory_space<vmem_shared>>
      %dma_start3A_202 = tpu.memref_slice %arg12[%dma_start3A_193] : memref<2x!tpu.dma_semaphore, #tpu.memory_space<semaphore_mem>> -> memref<1x!tpu.dma_semaphore, #tpu.memory_space<semaphore_mem>>
      %dma_start3A_203 = tpu.memref_squeeze %dma_start3A_202 : memref<1x!tpu.dma_semaphore, #tpu.memory_space<semaphore_mem>> -> memref<!tpu.dma_semaphore, #tpu.memory_space<semaphore_mem>>
      tpu.enqueue_indirect_dma source(%dma_start3A_197 : memref<80x128xf32, #tpu.memory_space<vmem>>) target(%dma_start3A_201 : memref<10000x128xf32, #tpu.memory_space<vmem_shared>>) offsets(%dma_start3A_198 : memref<80xi32, #tpu.memory_space<vmem>>) semaphore(%dma_start3A_203 : memref<!tpu.dma_semaphore, #tpu.memory_space<semaphore_mem>>) {add = true}
      %mul3A_204 = arith.constant 2 : i32
      %mul3A_205 = arith.muli %mul3A_204, %scan3A_173 : i32
      %mul3A_206 = arith.constant 80 : i32
      %mul3A_207 = arith.muli %mul3A_205, %mul3A_206 : i32
      %dma_wait3A_208 = arith.constant 0 : i32
      %dma_wait3A_209 = arith.constant 0 : i32
      %dma_wait3A_210 = arith.constant 0 : i32
      %dma_wait3A_211 = arith.constant 0 : i32
      %dma_wait3A_212 = tpu.memref_slice %arg9[%dma_wait3A_208, %dma_wait3A_210, %dma_wait3A_211] : memref<2x80x128xf32, #tpu.memory_space<vmem>> -> memref<1x80x128xf32, #tpu.memory_space<vmem>>
      %dma_wait3A_213 = tpu.memref_squeeze %dma_wait3A_212 : memref<1x80x128xf32, #tpu.memory_space<vmem>> -> memref<80x128xf32, #tpu.memory_space<vmem>>
      %dma_wait3A_214 = tpu.memref_slice %arg8[%mul3A_207] : memref<10000xi32, #tpu.memory_space<vmem>> -> memref<80xi32, #tpu.memory_space<vmem>>
      %dma_wait3A_215 = arith.constant 0 : i32
      %dma_wait3A_216 = arith.constant 0 : i32
      %dma_wait3A_217 = tpu.memref_slice %arg10[%dma_wait3A_215, %dma_wait3A_216] : memref<10000x128xf32, #tpu.memory_space<vmem_shared>> -> memref<10000x128xf32, #tpu.memory_space<vmem_shared>>
      %dma_wait3A_218 = tpu.memref_slice %arg12[%dma_wait3A_209] : memref<2x!tpu.dma_semaphore, #tpu.memory_space<semaphore_mem>> -> memref<1x!tpu.dma_semaphore, #tpu.memory_space<semaphore_mem>>
      %dma_wait3A_219 = tpu.memref_squeeze %dma_wait3A_218 : memref<1x!tpu.dma_semaphore, #tpu.memory_space<semaphore_mem>> -> memref<!tpu.dma_semaphore, #tpu.memory_space<semaphore_mem>>
      tpu.wait_indirect_dma semaphore(%dma_wait3A_219 : memref<!tpu.dma_semaphore, #tpu.memory_space<semaphore_mem>>) src(%dma_wait3A_213 : memref<80x128xf32, #tpu.memory_space<vmem>>) dst(%dma_wait3A_217 : memref<10000x128xf32, #tpu.memory_space<vmem_shared>>)
      %mul3A_220 = arith.constant 2 : i32
      %mul3A_221 = arith.muli %mul3A_220, %scan3A_173 : i32
      %add3A_222 = arith.constant 2 : i32
      %add3A_223 = arith.addi %mul3A_221, %add3A_222 : i32
      %mul3A_224 = arith.constant 80 : i32
      %mul3A_225 = arith.muli %add3A_223, %mul3A_224 : i32
      %dma_start3A_226 = arith.constant 0 : i32
      %dma_start3A_227 = arith.constant 0 : i32
      %dma_start3A_228 = arith.constant 0 : i32
      %dma_start3A_229 = arith.constant 0 : i32
      %dma_start3A_230 = tpu.memref_slice %arg9[%dma_start3A_226, %dma_start3A_228, %dma_start3A_229] : memref<2x80x128xf32, #tpu.memory_space<vmem>> -> memref<1x80x128xf32, #tpu.memory_space<vmem>>
      %dma_start3A_231 = tpu.memref_squeeze %dma_start3A_230 : memref<1x80x128xf32, #tpu.memory_space<vmem>> -> memref<80x128xf32, #tpu.memory_space<vmem>>
      %dma_start3A_232 = tpu.memref_slice %arg7[%mul3A_225] : memref<10000xi32, #tpu.memory_space<vmem>> -> memref<80xi32, #tpu.memory_space<vmem>>
      %dma_start3A_233 = arith.constant 0 : i32
      %dma_start3A_234 = arith.constant 0 : i32
      %dma_start3A_235 = tpu.memref_slice %arg4[%dma_start3A_233, %dma_start3A_234] : memref<10000x128xf32, #tpu.memory_space<hbm>> -> memref<10000x128xf32, #tpu.memory_space<hbm>>
      %dma_start3A_236 = tpu.memref_slice %arg11[%dma_start3A_227] : memref<2x!tpu.dma_semaphore, #tpu.memory_space<semaphore_mem>> -> memref<1x!tpu.dma_semaphore, #tpu.memory_space<semaphore_mem>>
      %dma_start3A_237 = tpu.memref_squeeze %dma_start3A_236 : memref<1x!tpu.dma_semaphore, #tpu.memory_space<semaphore_mem>> -> memref<!tpu.dma_semaphore, #tpu.memory_space<semaphore_mem>>
      tpu.enqueue_indirect_dma source(%dma_start3A_235 : memref<10000x128xf32, #tpu.memory_space<hbm>>) target(%dma_start3A_231 : memref<80x128xf32, #tpu.memory_space<vmem>>) offsets(%dma_start3A_232 : memref<80xi32, #tpu.memory_space<vmem>>) semaphore(%dma_start3A_237 : memref<!tpu.dma_semaphore, #tpu.memory_space<semaphore_mem>>)
      %mul3A_238 = arith.constant 2 : i32
      %mul3A_239 = arith.muli %mul3A_238, %scan3A_173 : i32
      %add3A_240 = arith.constant 1 : i32
      %add3A_241 = arith.addi %mul3A_239, %add3A_240 : i32
      %mul3A_242 = arith.constant 80 : i32
      %mul3A_243 = arith.muli %add3A_241, %mul3A_242 : i32
      %dma_wait3A_244 = arith.constant 1 : i32
      %dma_wait3A_245 = arith.constant 1 : i32
      %dma_wait3A_246 = arith.constant 0 : i32
      %dma_wait3A_247 = arith.constant 0 : i32
      %dma_wait3A_248 = tpu.memref_slice %arg9[%dma_wait3A_244, %dma_wait3A_246, %dma_wait3A_247] : memref<2x80x128xf32, #tpu.memory_space<vmem>> -> memref<1x80x128xf32, #tpu.memory_space<vmem>>
      %dma_wait3A_249 = tpu.memref_squeeze %dma_wait3A_248 : memref<1x80x128xf32, #tpu.memory_space<vmem>> -> memref<80x128xf32, #tpu.memory_space<vmem>>
      %dma_wait3A_250 = tpu.memref_slice %arg7[%mul3A_243] : memref<10000xi32, #tpu.memory_space<vmem>> -> memref<80xi32, #tpu.memory_space<vmem>>
      %dma_wait3A_251 = arith.constant 0 : i32
      %dma_wait3A_252 = arith.constant 0 : i32
      %dma_wait3A_253 = tpu.memref_slice %arg4[%dma_wait3A_251, %dma_wait3A_252] : memref<10000x128xf32, #tpu.memory_space<hbm>> -> memref<10000x128xf32, #tpu.memory_space<hbm>>
      %dma_wait3A_254 = tpu.memref_slice %arg11[%dma_wait3A_245] : memref<2x!tpu.dma_semaphore, #tpu.memory_space<semaphore_mem>> -> memref<1x!tpu.dma_semaphore, #tpu.memory_space<semaphore_mem>>
      %dma_wait3A_255 = tpu.memref_squeeze %dma_wait3A_254 : memref<1x!tpu.dma_semaphore, #tpu.memory_space<semaphore_mem>> -> memref<!tpu.dma_semaphore, #tpu.memory_space<semaphore_mem>>
      tpu.wait_indirect_dma semaphore(%dma_wait3A_255 : memref<!tpu.dma_semaphore, #tpu.memory_space<semaphore_mem>>) src(%dma_wait3A_253 : memref<10000x128xf32, #tpu.memory_space<hbm>>) dst(%dma_wait3A_249 : memref<80x128xf32, #tpu.memory_space<vmem>>)
      %mul3A_256 = arith.constant 80 : i32
      %mul3A_257 = arith.muli %add3A_241, %mul3A_256 : i32
      %dma_start3A_258 = arith.constant 1 : i32
      %dma_start3A_259 = arith.constant 1 : i32
      %dma_start3A_260 = arith.constant 0 : i32
      %dma_start3A_261 = arith.constant 0 : i32
      %dma_start3A_262 = tpu.memref_slice %arg9[%dma_start3A_258, %dma_start3A_260, %dma_start3A_261] : memref<2x80x128xf32, #tpu.memory_space<vmem>> -> memref<1x80x128xf32, #tpu.memory_space<vmem>>
      %dma_start3A_263 = tpu.memref_squeeze %dma_start3A_262 : memref<1x80x128xf32, #tpu.memory_space<vmem>> -> memref<80x128xf32, #tpu.memory_space<vmem>>
      %dma_start3A_264 = tpu.memref_slice %arg8[%mul3A_257] : memref<10000xi32, #tpu.memory_space<vmem>> -> memref<80xi32, #tpu.memory_space<vmem>>
      %dma_start3A_265 = arith.constant 0 : i32
      %dma_start3A_266 = arith.constant 0 : i32
      %dma_start3A_267 = tpu.memref_slice %arg10[%dma_start3A_265, %dma_start3A_266] : memref<10000x128xf32, #tpu.memory_space<vmem_shared>> -> memref<10000x128xf32, #tpu.memory_space<vmem_shared>>
      %dma_start3A_268 = tpu.memref_slice %arg12[%dma_start3A_259] : memref<2x!tpu.dma_semaphore, #tpu.memory_space<semaphore_mem>> -> memref<1x!tpu.dma_semaphore, #tpu.memory_space<semaphore_mem>>
      %dma_start3A_269 = tpu.memref_squeeze %dma_start3A_268 : memref<1x!tpu.dma_semaphore, #tpu.memory_space<semaphore_mem>> -> memref<!tpu.dma_semaphore, #tpu.memory_space<semaphore_mem>>
      tpu.enqueue_indirect_dma source(%dma_start3A_263 : memref<80x128xf32, #tpu.memory_space<vmem>>) target(%dma_start3A_267 : memref<10000x128xf32, #tpu.memory_space<vmem_shared>>) offsets(%dma_start3A_264 : memref<80xi32, #tpu.memory_space<vmem>>) semaphore(%dma_start3A_269 : memref<!tpu.dma_semaphore, #tpu.memory_space<semaphore_mem>>) {add = true}
      %mul3A_270 = arith.constant 2 : i32
      %mul3A_271 = arith.muli %mul3A_270, %scan3A_173 : i32
      %add3A_272 = arith.constant 1 : i32
      %add3A_273 = arith.addi %mul3A_271, %add3A_272 : i32
      %mul3A_274 = arith.constant 80 : i32
      %mul3A_275 = arith.muli %add3A_273, %mul3A_274 : i32
      %dma_wait3A_276 = arith.constant 1 : i32
      %dma_wait3A_277 = arith.constant 1 : i32
      %dma_wait3A_278 = arith.constant 0 : i32
      %dma_wait3A_279 = arith.constant 0 : i32
      %dma_wait3A_280 = tpu.memref_slice %arg9[%dma_wait3A_276, %dma_wait3A_278, %dma_wait3A_279] : memref<2x80x128xf32, #tpu.memory_space<vmem>> -> memref<1x80x128xf32, #tpu.memory_space<vmem>>
      %dma_wait3A_281 = tpu.memref_squeeze %dma_wait3A_280 : memref<1x80x128xf32, #tpu.memory_space<vmem>> -> memref<80x128xf32, #tpu.memory_space<vmem>>
      %dma_wait3A_282 = tpu.memref_slice %arg8[%mul3A_275] : memref<10000xi32, #tpu.memory_space<vmem>> -> memref<80xi32, #tpu.memory_space<vmem>>
      %dma_wait3A_283 = arith.constant 0 : i32
      %dma_wait3A_284 = arith.constant 0 : i32
      %dma_wait3A_285 = tpu.memref_slice %arg10[%dma_wait3A_283, %dma_wait3A_284] : memref<10000x128xf32, #tpu.memory_space<vmem_shared>> -> memref<10000x128xf32, #tpu.memory_space<vmem_shared>>
      %dma_wait3A_286 = tpu.memref_slice %arg12[%dma_wait3A_277] : memref<2x!tpu.dma_semaphore, #tpu.memory_space<semaphore_mem>> -> memref<1x!tpu.dma_semaphore, #tpu.memory_space<semaphore_mem>>
      %dma_wait3A_287 = tpu.memref_squeeze %dma_wait3A_286 : memref<1x!tpu.dma_semaphore, #tpu.memory_space<semaphore_mem>> -> memref<!tpu.dma_semaphore, #tpu.memory_space<semaphore_mem>>
      tpu.wait_indirect_dma semaphore(%dma_wait3A_287 : memref<!tpu.dma_semaphore, #tpu.memory_space<semaphore_mem>>) src(%dma_wait3A_281 : memref<80x128xf32, #tpu.memory_space<vmem>>) dst(%dma_wait3A_285 : memref<10000x128xf32, #tpu.memory_space<vmem_shared>>)
      %mul3A_288 = arith.constant 2 : i32
      %mul3A_289 = arith.muli %mul3A_288, %scan3A_173 : i32
      %add3A_290 = arith.constant 3 : i32
      %add3A_291 = arith.addi %mul3A_289, %add3A_290 : i32
      %mul3A_292 = arith.constant 80 : i32
      %mul3A_293 = arith.muli %add3A_291, %mul3A_292 : i32
      %dma_start3A_294 = arith.constant 1 : i32
      %dma_start3A_295 = arith.constant 1 : i32
      %dma_start3A_296 = arith.constant 0 : i32
      %dma_start3A_297 = arith.constant 0 : i32
      %dma_start3A_298 = tpu.memref_slice %arg9[%dma_start3A_294, %dma_start3A_296, %dma_start3A_297] : memref<2x80x128xf32, #tpu.memory_space<vmem>> -> memref<1x80x128xf32, #tpu.memory_space<vmem>>
      %dma_start3A_299 = tpu.memref_squeeze %dma_start3A_298 : memref<1x80x128xf32, #tpu.memory_space<vmem>> -> memref<80x128xf32, #tpu.memory_space<vmem>>
      %dma_start3A_300 = tpu.memref_slice %arg7[%mul3A_293] : memref<10000xi32, #tpu.memory_space<vmem>> -> memref<80xi32, #tpu.memory_space<vmem>>
      %dma_start3A_301 = arith.constant 0 : i32
      %dma_start3A_302 = arith.constant 0 : i32
      %dma_start3A_303 = tpu.memref_slice %arg4[%dma_start3A_301, %dma_start3A_302] : memref<10000x128xf32, #tpu.memory_space<hbm>> -> memref<10000x128xf32, #tpu.memory_space<hbm>>
      %dma_start3A_304 = tpu.memref_slice %arg11[%dma_start3A_295] : memref<2x!tpu.dma_semaphore, #tpu.memory_space<semaphore_mem>> -> memref<1x!tpu.dma_semaphore, #tpu.memory_space<semaphore_mem>>
      %dma_start3A_305 = tpu.memref_squeeze %dma_start3A_304 : memref<1x!tpu.dma_semaphore, #tpu.memory_space<semaphore_mem>> -> memref<!tpu.dma_semaphore, #tpu.memory_space<semaphore_mem>>
      tpu.enqueue_indirect_dma source(%dma_start3A_303 : memref<10000x128xf32, #tpu.memory_space<hbm>>) target(%dma_start3A_299 : memref<80x128xf32, #tpu.memory_space<vmem>>) offsets(%dma_start3A_300 : memref<80xi32, #tpu.memory_space<vmem>>) semaphore(%dma_start3A_305 : memref<!tpu.dma_semaphore, #tpu.memory_space<semaphore_mem>>)
    }
    %scan3A_38 = arith.constant 61 : i32
    %dma_wait3A = arith.constant 0 : i32
    %dma_wait3A_39 = arith.constant 0 : i32
    %dma_wait3A_40 = arith.constant 0 : i32
    %dma_wait3A_41 = arith.constant 0 : i32
    %dma_wait3A_42 = tpu.memref_slice %arg9[%dma_wait3A, %dma_wait3A_40, %dma_wait3A_41] : memref<2x80x128xf32, #tpu.memory_space<vmem>> -> memref<1x80x128xf32, #tpu.memory_space<vmem>>
    %dma_wait3A_43 = tpu.memref_squeeze %dma_wait3A_42 : memref<1x80x128xf32, #tpu.memory_space<vmem>> -> memref<80x128xf32, #tpu.memory_space<vmem>>
    %dma_wait3A_44 = arith.constant 9760 : i32
    %dma_wait3A_45 = tpu.memref_slice %arg7[%dma_wait3A_44] : memref<10000xi32, #tpu.memory_space<vmem>> -> memref<80xi32, #tpu.memory_space<vmem>>
    %dma_wait3A_46 = arith.constant 0 : i32
    %dma_wait3A_47 = arith.constant 0 : i32
    %dma_wait3A_48 = tpu.memref_slice %arg4[%dma_wait3A_46, %dma_wait3A_47] : memref<10000x128xf32, #tpu.memory_space<hbm>> -> memref<10000x128xf32, #tpu.memory_space<hbm>>
    %dma_wait3A_49 = tpu.memref_slice %arg11[%dma_wait3A_39] : memref<2x!tpu.dma_semaphore, #tpu.memory_space<semaphore_mem>> -> memref<1x!tpu.dma_semaphore, #tpu.memory_space<semaphore_mem>>
    %dma_wait3A_50 = tpu.memref_squeeze %dma_wait3A_49 : memref<1x!tpu.dma_semaphore, #tpu.memory_space<semaphore_mem>> -> memref<!tpu.dma_semaphore, #tpu.memory_space<semaphore_mem>>
    tpu.wait_indirect_dma semaphore(%dma_wait3A_50 : memref<!tpu.dma_semaphore, #tpu.memory_space<semaphore_mem>>) src(%dma_wait3A_48 : memref<10000x128xf32, #tpu.memory_space<hbm>>) dst(%dma_wait3A_43 : memref<80x128xf32, #tpu.memory_space<vmem>>)
    %dma_start3A_51 = arith.constant 0 : i32
    %dma_start3A_52 = arith.constant 0 : i32
    %dma_start3A_53 = arith.constant 0 : i32
    %dma_start3A_54 = arith.constant 0 : i32
    %dma_start3A_55 = tpu.memref_slice %arg9[%dma_start3A_51, %dma_start3A_53, %dma_start3A_54] : memref<2x80x128xf32, #tpu.memory_space<vmem>> -> memref<1x80x128xf32, #tpu.memory_space<vmem>>
    %dma_start3A_56 = tpu.memref_squeeze %dma_start3A_55 : memref<1x80x128xf32, #tpu.memory_space<vmem>> -> memref<80x128xf32, #tpu.memory_space<vmem>>
    %dma_start3A_57 = arith.constant 9760 : i32
    %dma_start3A_58 = tpu.memref_slice %arg8[%dma_start3A_57] : memref<10000xi32, #tpu.memory_space<vmem>> -> memref<80xi32, #tpu.memory_space<vmem>>
    %dma_start3A_59 = arith.constant 0 : i32
    %dma_start3A_60 = arith.constant 0 : i32
    %dma_start3A_61 = tpu.memref_slice %arg10[%dma_start3A_59, %dma_start3A_60] : memref<10000x128xf32, #tpu.memory_space<vmem_shared>> -> memref<10000x128xf32, #tpu.memory_space<vmem_shared>>
    %dma_start3A_62 = tpu.memref_slice %arg12[%dma_start3A_52] : memref<2x!tpu.dma_semaphore, #tpu.memory_space<semaphore_mem>> -> memref<1x!tpu.dma_semaphore, #tpu.memory_space<semaphore_mem>>
    %dma_start3A_63 = tpu.memref_squeeze %dma_start3A_62 : memref<1x!tpu.dma_semaphore, #tpu.memory_space<semaphore_mem>> -> memref<!tpu.dma_semaphore, #tpu.memory_space<semaphore_mem>>
    tpu.enqueue_indirect_dma source(%dma_start3A_56 : memref<80x128xf32, #tpu.memory_space<vmem>>) target(%dma_start3A_61 : memref<10000x128xf32, #tpu.memory_space<vmem_shared>>) offsets(%dma_start3A_58 : memref<80xi32, #tpu.memory_space<vmem>>) semaphore(%dma_start3A_63 : memref<!tpu.dma_semaphore, #tpu.memory_space<semaphore_mem>>) {add = true}
    %dma_wait3A_64 = arith.constant 0 : i32
    %dma_wait3A_65 = arith.constant 0 : i32
    %dma_wait3A_66 = arith.constant 0 : i32
    %dma_wait3A_67 = arith.constant 0 : i32
    %dma_wait3A_68 = tpu.memref_slice %arg9[%dma_wait3A_64, %dma_wait3A_66, %dma_wait3A_67] : memref<2x80x128xf32, #tpu.memory_space<vmem>> -> memref<1x80x128xf32, #tpu.memory_space<vmem>>
    %dma_wait3A_69 = tpu.memref_squeeze %dma_wait3A_68 : memref<1x80x128xf32, #tpu.memory_space<vmem>> -> memref<80x128xf32, #tpu.memory_space<vmem>>
    %dma_wait3A_70 = arith.constant 9760 : i32
    %dma_wait3A_71 = tpu.memref_slice %arg8[%dma_wait3A_70] : memref<10000xi32, #tpu.memory_space<vmem>> -> memref<80xi32, #tpu.memory_space<vmem>>
    %dma_wait3A_72 = arith.constant 0 : i32
    %dma_wait3A_73 = arith.constant 0 : i32
    %dma_wait3A_74 = tpu.memref_slice %arg10[%dma_wait3A_72, %dma_wait3A_73] : memref<10000x128xf32, #tpu.memory_space<vmem_shared>> -> memref<10000x128xf32, #tpu.memory_space<vmem_shared>>
    %dma_wait3A_75 = tpu.memref_slice %arg12[%dma_wait3A_65] : memref<2x!tpu.dma_semaphore, #tpu.memory_space<semaphore_mem>> -> memref<1x!tpu.dma_semaphore, #tpu.memory_space<semaphore_mem>>
    %dma_wait3A_76 = tpu.memref_squeeze %dma_wait3A_75 : memref<1x!tpu.dma_semaphore, #tpu.memory_space<semaphore_mem>> -> memref<!tpu.dma_semaphore, #tpu.memory_space<semaphore_mem>>
    tpu.wait_indirect_dma semaphore(%dma_wait3A_76 : memref<!tpu.dma_semaphore, #tpu.memory_space<semaphore_mem>>) src(%dma_wait3A_69 : memref<80x128xf32, #tpu.memory_space<vmem>>) dst(%dma_wait3A_74 : memref<10000x128xf32, #tpu.memory_space<vmem_shared>>)
    %dma_start3A_77 = arith.constant 0 : i32
    %dma_start3A_78 = arith.constant 0 : i32
    %dma_start3A_79 = arith.constant 0 : i32
    %dma_start3A_80 = arith.constant 0 : i32
    %dma_start3A_81 = tpu.memref_slice %arg9[%dma_start3A_77, %dma_start3A_79, %dma_start3A_80] : memref<2x80x128xf32, #tpu.memory_space<vmem>> -> memref<1x80x128xf32, #tpu.memory_space<vmem>>
    %dma_start3A_82 = tpu.memref_squeeze %dma_start3A_81 : memref<1x80x128xf32, #tpu.memory_space<vmem>> -> memref<80x128xf32, #tpu.memory_space<vmem>>
    %dma_start3A_83 = arith.constant 9920 : i32
    %dma_start3A_84 = tpu.memref_slice %arg7[%dma_start3A_83] : memref<10000xi32, #tpu.memory_space<vmem>> -> memref<80xi32, #tpu.memory_space<vmem>>
    %dma_start3A_85 = arith.constant 0 : i32
    %dma_start3A_86 = arith.constant 0 : i32
    %dma_start3A_87 = tpu.memref_slice %arg4[%dma_start3A_85, %dma_start3A_86] : memref<10000x128xf32, #tpu.memory_space<hbm>> -> memref<10000x128xf32, #tpu.memory_space<hbm>>
    %dma_start3A_88 = tpu.memref_slice %arg11[%dma_start3A_78] : memref<2x!tpu.dma_semaphore, #tpu.memory_space<semaphore_mem>> -> memref<1x!tpu.dma_semaphore, #tpu.memory_space<semaphore_mem>>
    %dma_start3A_89 = tpu.memref_squeeze %dma_start3A_88 : memref<1x!tpu.dma_semaphore, #tpu.memory_space<semaphore_mem>> -> memref<!tpu.dma_semaphore, #tpu.memory_space<semaphore_mem>>
    tpu.enqueue_indirect_dma source(%dma_start3A_87 : memref<10000x128xf32, #tpu.memory_space<hbm>>) target(%dma_start3A_82 : memref<80x128xf32, #tpu.memory_space<vmem>>) offsets(%dma_start3A_84 : memref<80xi32, #tpu.memory_space<vmem>>) semaphore(%dma_start3A_89 : memref<!tpu.dma_semaphore, #tpu.memory_space<semaphore_mem>>)
    %dma_wait3A_90 = arith.constant 1 : i32
    %dma_wait3A_91 = arith.constant 1 : i32
    %dma_wait3A_92 = arith.constant 0 : i32
    %dma_wait3A_93 = arith.constant 0 : i32
    %dma_wait3A_94 = tpu.memref_slice %arg9[%dma_wait3A_90, %dma_wait3A_92, %dma_wait3A_93] : memref<2x80x128xf32, #tpu.memory_space<vmem>> -> memref<1x80x128xf32, #tpu.memory_space<vmem>>
    %dma_wait3A_95 = tpu.memref_squeeze %dma_wait3A_94 : memref<1x80x128xf32, #tpu.memory_space<vmem>> -> memref<80x128xf32, #tpu.memory_space<vmem>>
    %dma_wait3A_96 = arith.constant 9840 : i32
    %dma_wait3A_97 = tpu.memref_slice %arg7[%dma_wait3A_96] : memref<10000xi32, #tpu.memory_space<vmem>> -> memref<80xi32, #tpu.memory_space<vmem>>
    %dma_wait3A_98 = arith.constant 0 : i32
    %dma_wait3A_99 = arith.constant 0 : i32
    %dma_wait3A_100 = tpu.memref_slice %arg4[%dma_wait3A_98, %dma_wait3A_99] : memref<10000x128xf32, #tpu.memory_space<hbm>> -> memref<10000x128xf32, #tpu.memory_space<hbm>>
    %dma_wait3A_101 = tpu.memref_slice %arg11[%dma_wait3A_91] : memref<2x!tpu.dma_semaphore, #tpu.memory_space<semaphore_mem>> -> memref<1x!tpu.dma_semaphore, #tpu.memory_space<semaphore_mem>>
    %dma_wait3A_102 = tpu.memref_squeeze %dma_wait3A_101 : memref<1x!tpu.dma_semaphore, #tpu.memory_space<semaphore_mem>> -> memref<!tpu.dma_semaphore, #tpu.memory_space<semaphore_mem>>
    tpu.wait_indirect_dma semaphore(%dma_wait3A_102 : memref<!tpu.dma_semaphore, #tpu.memory_space<semaphore_mem>>) src(%dma_wait3A_100 : memref<10000x128xf32, #tpu.memory_space<hbm>>) dst(%dma_wait3A_95 : memref<80x128xf32, #tpu.memory_space<vmem>>)
    %dma_start3A_103 = arith.constant 1 : i32
    %dma_start3A_104 = arith.constant 1 : i32
    %dma_start3A_105 = arith.constant 0 : i32
    %dma_start3A_106 = arith.constant 0 : i32
    %dma_start3A_107 = tpu.memref_slice %arg9[%dma_start3A_103, %dma_start3A_105, %dma_start3A_106] : memref<2x80x128xf32, #tpu.memory_space<vmem>> -> memref<1x80x128xf32, #tpu.memory_space<vmem>>
    %dma_start3A_108 = tpu.memref_squeeze %dma_start3A_107 : memref<1x80x128xf32, #tpu.memory_space<vmem>> -> memref<80x128xf32, #tpu.memory_space<vmem>>
    %dma_start3A_109 = arith.constant 9840 : i32
    %dma_start3A_110 = tpu.memref_slice %arg8[%dma_start3A_109] : memref<10000xi32, #tpu.memory_space<vmem>> -> memref<80xi32, #tpu.memory_space<vmem>>
    %dma_start3A_111 = arith.constant 0 : i32
    %dma_start3A_112 = arith.constant 0 : i32
    %dma_start3A_113 = tpu.memref_slice %arg10[%dma_start3A_111, %dma_start3A_112] : memref<10000x128xf32, #tpu.memory_space<vmem_shared>> -> memref<10000x128xf32, #tpu.memory_space<vmem_shared>>
    %dma_start3A_114 = tpu.memref_slice %arg12[%dma_start3A_104] : memref<2x!tpu.dma_semaphore, #tpu.memory_space<semaphore_mem>> -> memref<1x!tpu.dma_semaphore, #tpu.memory_space<semaphore_mem>>
    %dma_start3A_115 = tpu.memref_squeeze %dma_start3A_114 : memref<1x!tpu.dma_semaphore, #tpu.memory_space<semaphore_mem>> -> memref<!tpu.dma_semaphore, #tpu.memory_space<semaphore_mem>>
    tpu.enqueue_indirect_dma source(%dma_start3A_108 : memref<80x128xf32, #tpu.memory_space<vmem>>) target(%dma_start3A_113 : memref<10000x128xf32, #tpu.memory_space<vmem_shared>>) offsets(%dma_start3A_110 : memref<80xi32, #tpu.memory_space<vmem>>) semaphore(%dma_start3A_115 : memref<!tpu.dma_semaphore, #tpu.memory_space<semaphore_mem>>) {add = true}
    %dma_wait3A_116 = arith.constant 1 : i32
    %dma_wait3A_117 = arith.constant 1 : i32
    %dma_wait3A_118 = arith.constant 0 : i32
    %dma_wait3A_119 = arith.constant 0 : i32
    %dma_wait3A_120 = tpu.memref_slice %arg9[%dma_wait3A_116, %dma_wait3A_118, %dma_wait3A_119] : memref<2x80x128xf32, #tpu.memory_space<vmem>> -> memref<1x80x128xf32, #tpu.memory_space<vmem>>
    %dma_wait3A_121 = tpu.memref_squeeze %dma_wait3A_120 : memref<1x80x128xf32, #tpu.memory_space<vmem>> -> memref<80x128xf32, #tpu.memory_space<vmem>>
    %dma_wait3A_122 = arith.constant 9840 : i32
    %dma_wait3A_123 = tpu.memref_slice %arg8[%dma_wait3A_122] : memref<10000xi32, #tpu.memory_space<vmem>> -> memref<80xi32, #tpu.memory_space<vmem>>
    %dma_wait3A_124 = arith.constant 0 : i32
    %dma_wait3A_125 = arith.constant 0 : i32
    %dma_wait3A_126 = tpu.memref_slice %arg10[%dma_wait3A_124, %dma_wait3A_125] : memref<10000x128xf32, #tpu.memory_space<vmem_shared>> -> memref<10000x128xf32, #tpu.memory_space<vmem_shared>>
    %dma_wait3A_127 = tpu.memref_slice %arg12[%dma_wait3A_117] : memref<2x!tpu.dma_semaphore, #tpu.memory_space<semaphore_mem>> -> memref<1x!tpu.dma_semaphore, #tpu.memory_space<semaphore_mem>>
    %dma_wait3A_128 = tpu.memref_squeeze %dma_wait3A_127 : memref<1x!tpu.dma_semaphore, #tpu.memory_space<semaphore_mem>> -> memref<!tpu.dma_semaphore, #tpu.memory_space<semaphore_mem>>
    tpu.wait_indirect_dma semaphore(%dma_wait3A_128 : memref<!tpu.dma_semaphore, #tpu.memory_space<semaphore_mem>>) src(%dma_wait3A_121 : memref<80x128xf32, #tpu.memory_space<vmem>>) dst(%dma_wait3A_126 : memref<10000x128xf32, #tpu.memory_space<vmem_shared>>)
    %dma_wait3A_129 = arith.constant 0 : i32
    %dma_wait3A_130 = arith.constant 0 : i32
    %dma_wait3A_131 = arith.constant 0 : i32
    %dma_wait3A_132 = arith.constant 0 : i32
    %dma_wait3A_133 = tpu.memref_slice %arg9[%dma_wait3A_129, %dma_wait3A_131, %dma_wait3A_132] : memref<2x80x128xf32, #tpu.memory_space<vmem>> -> memref<1x80x128xf32, #tpu.memory_space<vmem>>
    %dma_wait3A_134 = tpu.memref_squeeze %dma_wait3A_133 : memref<1x80x128xf32, #tpu.memory_space<vmem>> -> memref<80x128xf32, #tpu.memory_space<vmem>>
    %dma_wait3A_135 = arith.constant 9920 : i32
    %dma_wait3A_136 = tpu.memref_slice %arg7[%dma_wait3A_135] : memref<10000xi32, #tpu.memory_space<vmem>> -> memref<80xi32, #tpu.memory_space<vmem>>
    %dma_wait3A_137 = arith.constant 0 : i32
    %dma_wait3A_138 = arith.constant 0 : i32
    %dma_wait3A_139 = tpu.memref_slice %arg4[%dma_wait3A_137, %dma_wait3A_138] : memref<10000x128xf32, #tpu.memory_space<hbm>> -> memref<10000x128xf32, #tpu.memory_space<hbm>>
    %dma_wait3A_140 = tpu.memref_slice %arg11[%dma_wait3A_130] : memref<2x!tpu.dma_semaphore, #tpu.memory_space<semaphore_mem>> -> memref<1x!tpu.dma_semaphore, #tpu.memory_space<semaphore_mem>>
    %dma_wait3A_141 = tpu.memref_squeeze %dma_wait3A_140 : memref<1x!tpu.dma_semaphore, #tpu.memory_space<semaphore_mem>> -> memref<!tpu.dma_semaphore, #tpu.memory_space<semaphore_mem>>
    tpu.wait_indirect_dma semaphore(%dma_wait3A_141 : memref<!tpu.dma_semaphore, #tpu.memory_space<semaphore_mem>>) src(%dma_wait3A_139 : memref<10000x128xf32, #tpu.memory_space<hbm>>) dst(%dma_wait3A_134 : memref<80x128xf32, #tpu.memory_space<vmem>>)
    %dma_start3A_142 = arith.constant 0 : i32
    %dma_start3A_143 = arith.constant 0 : i32
    %dma_start3A_144 = arith.constant 0 : i32
    %dma_start3A_145 = arith.constant 0 : i32
    %dma_start3A_146 = tpu.memref_slice %arg9[%dma_start3A_142, %dma_start3A_144, %dma_start3A_145] : memref<2x80x128xf32, #tpu.memory_space<vmem>> -> memref<1x80x128xf32, #tpu.memory_space<vmem>>
    %dma_start3A_147 = tpu.memref_squeeze %dma_start3A_146 : memref<1x80x128xf32, #tpu.memory_space<vmem>> -> memref<80x128xf32, #tpu.memory_space<vmem>>
    %dma_start3A_148 = arith.constant 9920 : i32
    %dma_start3A_149 = tpu.memref_slice %arg8[%dma_start3A_148] : memref<10000xi32, #tpu.memory_space<vmem>> -> memref<80xi32, #tpu.memory_space<vmem>>
    %dma_start3A_150 = arith.constant 0 : i32
    %dma_start3A_151 = arith.constant 0 : i32
    %dma_start3A_152 = tpu.memref_slice %arg10[%dma_start3A_150, %dma_start3A_151] : memref<10000x128xf32, #tpu.memory_space<vmem_shared>> -> memref<10000x128xf32, #tpu.memory_space<vmem_shared>>
    %dma_start3A_153 = tpu.memref_slice %arg12[%dma_start3A_143] : memref<2x!tpu.dma_semaphore, #tpu.memory_space<semaphore_mem>> -> memref<1x!tpu.dma_semaphore, #tpu.memory_space<semaphore_mem>>
    %dma_start3A_154 = tpu.memref_squeeze %dma_start3A_153 : memref<1x!tpu.dma_semaphore, #tpu.memory_space<semaphore_mem>> -> memref<!tpu.dma_semaphore, #tpu.memory_space<semaphore_mem>>
    tpu.enqueue_indirect_dma source(%dma_start3A_147 : memref<80x128xf32, #tpu.memory_space<vmem>>) target(%dma_start3A_152 : memref<10000x128xf32, #tpu.memory_space<vmem_shared>>) offsets(%dma_start3A_149 : memref<80xi32, #tpu.memory_space<vmem>>) semaphore(%dma_start3A_154 : memref<!tpu.dma_semaphore, #tpu.memory_space<semaphore_mem>>) {add = true}
    %dma_wait3A_155 = arith.constant 0 : i32
    %dma_wait3A_156 = arith.constant 0 : i32
    %dma_wait3A_157 = arith.constant 0 : i32
    %dma_wait3A_158 = arith.constant 0 : i32
    %dma_wait3A_159 = tpu.memref_slice %arg9[%dma_wait3A_155, %dma_wait3A_157, %dma_wait3A_158] : memref<2x80x128xf32, #tpu.memory_space<vmem>> -> memref<1x80x128xf32, #tpu.memory_space<vmem>>
    %dma_wait3A_160 = tpu.memref_squeeze %dma_wait3A_159 : memref<1x80x128xf32, #tpu.memory_space<vmem>> -> memref<80x128xf32, #tpu.memory_space<vmem>>
    %dma_wait3A_161 = arith.constant 9920 : i32
    %dma_wait3A_162 = tpu.memref_slice %arg8[%dma_wait3A_161] : memref<10000xi32, #tpu.memory_space<vmem>> -> memref<80xi32, #tpu.memory_space<vmem>>
    %dma_wait3A_163 = arith.constant 0 : i32
    %dma_wait3A_164 = arith.constant 0 : i32
    %dma_wait3A_165 = tpu.memref_slice %arg10[%dma_wait3A_163, %dma_wait3A_164] : memref<10000x128xf32, #tpu.memory_space<vmem_shared>> -> memref<10000x128xf32, #tpu.memory_space<vmem_shared>>
    %dma_wait3A_166 = tpu.memref_slice %arg12[%dma_wait3A_156] : memref<2x!tpu.dma_semaphore, #tpu.memory_space<semaphore_mem>> -> memref<1x!tpu.dma_semaphore, #tpu.memory_space<semaphore_mem>>
    %dma_wait3A_167 = tpu.memref_squeeze %dma_wait3A_166 : memref<1x!tpu.dma_semaphore, #tpu.memory_space<semaphore_mem>> -> memref<!tpu.dma_semaphore, #tpu.memory_space<semaphore_mem>>
    tpu.wait_indirect_dma semaphore(%dma_wait3A_167 : memref<!tpu.dma_semaphore, #tpu.memory_space<semaphore_mem>>) src(%dma_wait3A_160 : memref<80x128xf32, #tpu.memory_space<vmem>>) dst(%dma_wait3A_165 : memref<10000x128xf32, #tpu.memory_space<vmem_shared>>)
    %barrier3A_168 = arith.constant 0 : index
    tpu.barrier barrier_id(%barrier3A_168)
    %mul3A_169 = arith.constant 625 : i32
    %mul3A_170 = arith.muli %arg1, %mul3A_169 : i32
    %mul3A_171 = arith.constant 625 : i32
    %mul3A_172 = arith.muli %arg1, %mul3A_171 : i32
    "tpu.region"() ({
      %run_scoped3A = tpu.sem_alloc : memref<!tpu.dma_semaphore, #tpu.memory_space<semaphore_mem>>
      %dma_start3A_173 = arith.constant 0 : i32
      %dma_start3A_174 = tpu.memref_slice %arg6[%arg0, %mul3A_172, %dma_start3A_173] : memref<2x10000x128xf32, #tpu.memory_space<hbm>> -> memref<1x625x128xf32, #tpu.memory_space<hbm>>
      %dma_start3A_175 = tpu.memref_squeeze %dma_start3A_174 : memref<1x625x128xf32, #tpu.memory_space<hbm>> -> memref<625x128xf32, #tpu.memory_space<hbm>>
      %dma_start3A_176 = arith.constant 0 : i32
      %dma_start3A_177 = tpu.memref_slice %arg10[%mul3A_170, %dma_start3A_176] : memref<10000x128xf32, #tpu.memory_space<vmem_shared>> -> memref<625x128xf32, #tpu.memory_space<vmem_shared>>
      tpu.enqueue_dma source(%dma_start3A_177 : memref<625x128xf32, #tpu.memory_space<vmem_shared>>) target(%dma_start3A_175 : memref<625x128xf32, #tpu.memory_space<hbm>>) target_semaphore(%run_scoped3A : memref<!tpu.dma_semaphore, #tpu.memory_space<semaphore_mem>>)
      %dma_wait3A_178 = arith.constant 0 : i32
      %dma_wait3A_179 = tpu.memref_slice %arg6[%arg0, %mul3A_172, %dma_wait3A_178] : memref<2x10000x128xf32, #tpu.memory_space<hbm>> -> memref<1x625x128xf32, #tpu.memory_space<hbm>>
      %dma_wait3A_180 = tpu.memref_squeeze %dma_wait3A_179 : memref<1x625x128xf32, #tpu.memory_space<hbm>> -> memref<625x128xf32, #tpu.memory_space<hbm>>
      %dma_wait3A_181 = arith.constant 0 : i32
      %dma_wait3A_182 = tpu.memref_slice %arg10[%mul3A_170, %dma_wait3A_181] : memref<10000x128xf32, #tpu.memory_space<vmem_shared>> -> memref<625x128xf32, #tpu.memory_space<vmem_shared>>
      tpu.wait_dma2 semaphore(%run_scoped3A : memref<!tpu.dma_semaphore, #tpu.memory_space<semaphore_mem>>) src(%dma_wait3A_182 : memref<625x128xf32, #tpu.memory_space<vmem_shared>>) dst(%dma_wait3A_180 : memref<625x128xf32, #tpu.memory_space<hbm>>)
      tpu.yield
    }) : () -> ()
    return
  }
}

#map = affine_map<(d0, d1) -> (0)>
#map1 = affine_map<(d0, d1) -> (0, 0)>
#map2 = affine_map<(d0, d1) -> (0, 0, 0)>
module attributes {stable_mosaic.version = 14 : i64} {
  func.func @_sc_degree(%arg0: i32, %arg1: i32, %arg2: memref<320000xi32, #tpu.memory_space<hbm>>, %arg3: memref<10000x16xf32, #tpu.memory_space<hbm>>, %arg4: memref<2x10000x16xf32, #tpu.memory_space<hbm>>, %arg5: memref<10000xi32, #tpu.memory_space<vmem>>, %arg6: memref<400x16xf32, #tpu.memory_space<vmem>>, %arg7: memref<10000x16xf32, #tpu.memory_space<vmem_shared>>, %arg8: memref<!tpu.dma_semaphore, #tpu.memory_space<semaphore_mem>>) attributes {dimension_semantics = [#tpu.dimension_semantics<core_parallel>, #tpu.dimension_semantics<subcore_parallel>], iteration_bounds = array<i64: 2, 16>, scalar_prefetch = 0 : i64, scratch_operands = 4 : i64, tpu.core_type = #tpu.core_type<sc_vector_subcore>, window_params = [{transform_indices = #map}, {transform_indices = #map1}, {transform_indices = #map2}]} {
    %mul3A = arith.constant 2 : i32
    %mul3A_0 = arith.muli %arg1, %mul3A : i32
    %add3A = arith.addi %mul3A_0, %arg0 : i32
    %mul3A_1 = arith.constant 10000 : i32
    %mul3A_2 = arith.muli %add3A, %mul3A_1 : i32
    "tpu.region"() ({
      %run_scoped3A = tpu.sem_alloc : memref<!tpu.dma_semaphore, #tpu.memory_space<semaphore_mem>>
      %dma_start3A = tpu.memref_slice %arg2[%mul3A_2] : memref<320000xi32, #tpu.memory_space<hbm>> -> memref<10000xi32, #tpu.memory_space<hbm>>
      %dma_start3A_29 = tpu.memref_slice %arg2[%mul3A_2] : memref<320000xi32, #tpu.memory_space<hbm>> -> memref<10000xi32, #tpu.memory_space<hbm>>
      tpu.enqueue_dma source(%dma_start3A_29 : memref<10000xi32, #tpu.memory_space<hbm>>) target(%arg5 : memref<10000xi32, #tpu.memory_space<vmem>>) target_semaphore(%run_scoped3A : memref<!tpu.dma_semaphore, #tpu.memory_space<semaphore_mem>>)
      %dma_wait3A = tpu.memref_slice %arg2[%mul3A_2] : memref<320000xi32, #tpu.memory_space<hbm>> -> memref<10000xi32, #tpu.memory_space<hbm>>
      %dma_wait3A_30 = tpu.memref_slice %arg2[%mul3A_2] : memref<320000xi32, #tpu.memory_space<hbm>> -> memref<10000xi32, #tpu.memory_space<hbm>>
      tpu.wait_dma2 semaphore(%run_scoped3A : memref<!tpu.dma_semaphore, #tpu.memory_space<semaphore_mem>>) src(%dma_wait3A_30 : memref<10000xi32, #tpu.memory_space<hbm>>) dst(%arg5 : memref<10000xi32, #tpu.memory_space<vmem>>)
      tpu.yield
    }) : () -> ()
    %scan3A = arith.constant 0 : i32
    %scan3A_3 = arith.constant 0 : i32
    %scan3A_4 = arith.constant 400 : i32
    %scan3A_5 = arith.addi %scan3A_3, %scan3A_4 : i32
    %scan3A_6 = arith.constant 1 : i32
    scf.for %scan3A_29 = %scan3A_3 to %scan3A_5 step %scan3A_6  : i32 {
      %broadcast_in_dim3A = arith.constant 1.000000e+00 : f32
      %broadcast_in_dim3A_30 = vector.broadcast %broadcast_in_dim3A : f32 to vector<16xf32>
      %swap3A = arith.index_cast %scan3A_29 : i32 to index
      %swap3A_31 = arith.constant 0 : index
      %swap3A_32 = tpu.vector_load %arg6[%swap3A, %swap3A_31] {strides = array<i32>} : memref<400x16xf32, #tpu.memory_space<vmem>>, vector<1x16xf32>,
      %swap3A_33 = vector.shape_cast %swap3A_32 : vector<1x16xf32> to vector<16xf32>
      %swap3A_34 = vector.shape_cast %broadcast_in_dim3A_30 : vector<16xf32> to vector<1x16xf32>
      tpu.vector_store %arg6[%swap3A, %swap3A_31], %swap3A_34 {strides = array<i32>} : memref<400x16xf32, #tpu.memory_space<vmem>>, vector<1x16xf32>,
    }
    %scan3A_7 = arith.constant 400 : i32
    %mul3A_8 = arith.constant 625 : i32
    %mul3A_9 = arith.muli %arg1, %mul3A_8 : i32
    %mul3A_10 = arith.constant 625 : i32
    %mul3A_11 = arith.muli %arg1, %mul3A_10 : i32
    "tpu.region"() ({
      %run_scoped3A = tpu.sem_alloc : memref<!tpu.dma_semaphore, #tpu.memory_space<semaphore_mem>>
      %dma_start3A = arith.constant 0 : i32
      %dma_start3A_29 = tpu.memref_slice %arg7[%mul3A_11, %dma_start3A] : memref<10000x16xf32, #tpu.memory_space<vmem_shared>> -> memref<625x16xf32, #tpu.memory_space<vmem_shared>>
      %dma_start3A_30 = arith.constant 0 : i32
      %dma_start3A_31 = tpu.memref_slice %arg3[%mul3A_9, %dma_start3A_30] : memref<10000x16xf32, #tpu.memory_space<hbm>> -> memref<625x16xf32, #tpu.memory_space<hbm>>
      tpu.enqueue_dma source(%dma_start3A_31 : memref<625x16xf32, #tpu.memory_space<hbm>>) target(%dma_start3A_29 : memref<625x16xf32, #tpu.memory_space<vmem_shared>>) target_semaphore(%run_scoped3A : memref<!tpu.dma_semaphore, #tpu.memory_space<semaphore_mem>>)
      %dma_wait3A = arith.constant 0 : i32
      %dma_wait3A_32 = tpu.memref_slice %arg7[%mul3A_11, %dma_wait3A] : memref<10000x16xf32, #tpu.memory_space<vmem_shared>> -> memref<625x16xf32, #tpu.memory_space<vmem_shared>>
      %dma_wait3A_33 = arith.constant 0 : i32
      %dma_wait3A_34 = tpu.memref_slice %arg3[%mul3A_9, %dma_wait3A_33] : memref<10000x16xf32, #tpu.memory_space<hbm>> -> memref<625x16xf32, #tpu.memory_space<hbm>>
      tpu.wait_dma2 semaphore(%run_scoped3A : memref<!tpu.dma_semaphore, #tpu.memory_space<semaphore_mem>>) src(%dma_wait3A_34 : memref<625x16xf32, #tpu.memory_space<hbm>>) dst(%dma_wait3A_32 : memref<625x16xf32, #tpu.memory_space<vmem_shared>>)
      tpu.yield
    }) : () -> ()
    %barrier3A = arith.constant 0 : index
    tpu.barrier barrier_id(%barrier3A)
    %scan3A_12 = arith.constant 0 : i32
    %scan3A_13 = arith.constant 0 : i32
    %scan3A_14 = arith.constant 25 : i32
    %scan3A_15 = arith.addi %scan3A_13, %scan3A_14 : i32
    %scan3A_16 = arith.constant 1 : i32
    scf.for %scan3A_29 = %scan3A_13 to %scan3A_15 step %scan3A_16  : i32 {
      %mul3A_30 = arith.constant 400 : i32
      %mul3A_31 = arith.muli %scan3A_29, %mul3A_30 : i32
      %dma_start3A = tpu.memref_slice %arg5[%mul3A_31] : memref<10000xi32, #tpu.memory_space<vmem>> -> memref<400xi32, #tpu.memory_space<vmem>>
      %dma_start3A_32 = arith.constant 0 : i32
      %dma_start3A_33 = arith.constant 0 : i32
      %dma_start3A_34 = tpu.memref_slice %arg7[%dma_start3A_32, %dma_start3A_33] : memref<10000x16xf32, #tpu.memory_space<vmem_shared>> -> memref<10000x16xf32, #tpu.memory_space<vmem_shared>>
      tpu.enqueue_indirect_dma source(%arg6 : memref<400x16xf32, #tpu.memory_space<vmem>>) target(%dma_start3A_34 : memref<10000x16xf32, #tpu.memory_space<vmem_shared>>) offsets(%dma_start3A : memref<400xi32, #tpu.memory_space<vmem>>) semaphore(%arg8 : memref<!tpu.dma_semaphore, #tpu.memory_space<semaphore_mem>>) {add = true}
    }
    %scan3A_17 = arith.constant 25 : i32
    %scan3A_18 = arith.constant 0 : i32
    %scan3A_19 = arith.constant 0 : i32
    %scan3A_20 = arith.constant 25 : i32
    %scan3A_21 = arith.addi %scan3A_19, %scan3A_20 : i32
    %scan3A_22 = arith.constant 1 : i32
    scf.for %scan3A_29 = %scan3A_19 to %scan3A_21 step %scan3A_22  : i32 {
      %mul3A_30 = arith.constant 400 : i32
      %mul3A_31 = arith.muli %scan3A_29, %mul3A_30 : i32
      %dma_wait3A = tpu.memref_slice %arg5[%mul3A_31] : memref<10000xi32, #tpu.memory_space<vmem>> -> memref<400xi32, #tpu.memory_space<vmem>>
      %dma_wait3A_32 = arith.constant 0 : i32
      %dma_wait3A_33 = arith.constant 0 : i32
      %dma_wait3A_34 = tpu.memref_slice %arg7[%dma_wait3A_32, %dma_wait3A_33] : memref<10000x16xf32, #tpu.memory_space<vmem_shared>> -> memref<10000x16xf32, #tpu.memory_space<vmem_shared>>
      tpu.wait_indirect_dma semaphore(%arg8 : memref<!tpu.dma_semaphore, #tpu.memory_space<semaphore_mem>>) src(%arg6 : memref<400x16xf32, #tpu.memory_space<vmem>>) dst(%dma_wait3A_34 : memref<10000x16xf32, #tpu.memory_space<vmem_shared>>)
    }
    %scan3A_23 = arith.constant 25 : i32
    %barrier3A_24 = arith.constant 0 : index
    tpu.barrier barrier_id(%barrier3A_24)
    %mul3A_25 = arith.constant 625 : i32
    %mul3A_26 = arith.muli %arg1, %mul3A_25 : i32
    %mul3A_27 = arith.constant 625 : i32
    %mul3A_28 = arith.muli %arg1, %mul3A_27 : i32
    "tpu.region"() ({
      %run_scoped3A = tpu.sem_alloc : memref<!tpu.dma_semaphore, #tpu.memory_space<semaphore_mem>>
      %dma_start3A = arith.constant 0 : i32
      %dma_start3A_29 = tpu.memref_slice %arg4[%arg0, %mul3A_28, %dma_start3A] : memref<2x10000x16xf32, #tpu.memory_space<hbm>> -> memref<1x625x16xf32, #tpu.memory_space<hbm>>
      %dma_start3A_30 = tpu.memref_squeeze %dma_start3A_29 : memref<1x625x16xf32, #tpu.memory_space<hbm>> -> memref<625x16xf32, #tpu.memory_space<hbm>>
      %dma_start3A_31 = arith.constant 0 : i32
      %dma_start3A_32 = tpu.memref_slice %arg7[%mul3A_26, %dma_start3A_31] : memref<10000x16xf32, #tpu.memory_space<vmem_shared>> -> memref<625x16xf32, #tpu.memory_space<vmem_shared>>
      tpu.enqueue_dma source(%dma_start3A_32 : memref<625x16xf32, #tpu.memory_space<vmem_shared>>) target(%dma_start3A_30 : memref<625x16xf32, #tpu.memory_space<hbm>>) target_semaphore(%run_scoped3A : memref<!tpu.dma_semaphore, #tpu.memory_space<semaphore_mem>>)
      %dma_wait3A = arith.constant 0 : i32
      %dma_wait3A_33 = tpu.memref_slice %arg4[%arg0, %mul3A_28, %dma_wait3A] : memref<2x10000x16xf32, #tpu.memory_space<hbm>> -> memref<1x625x16xf32, #tpu.memory_space<hbm>>
      %dma_wait3A_34 = tpu.memref_squeeze %dma_wait3A_33 : memref<1x625x16xf32, #tpu.memory_space<hbm>> -> memref<625x16xf32, #tpu.memory_space<hbm>>
      %dma_wait3A_35 = arith.constant 0 : i32
      %dma_wait3A_36 = tpu.memref_slice %arg7[%mul3A_26, %dma_wait3A_35] : memref<10000x16xf32, #tpu.memory_space<vmem_shared>> -> memref<625x16xf32, #tpu.memory_space<vmem_shared>>
      tpu.wait_dma2 semaphore(%run_scoped3A : memref<!tpu.dma_semaphore, #tpu.memory_space<semaphore_mem>>) src(%dma_wait3A_36 : memref<625x16xf32, #tpu.memory_space<vmem_shared>>) dst(%dma_wait3A_34 : memref<625x16xf32, #tpu.memory_space<hbm>>)
      tpu.yield
    }) : () -> ()
    return
  }
}

#map = affine_map<(d0, d1) -> (0)>
#map1 = affine_map<(d0, d1) -> (0, 0)>
#map2 = affine_map<(d0, d1) -> (0, 0, 0)>
module attributes {stable_mosaic.version = 14 : i64} {
  func.func @_sc_conv16(%arg0: i32, %arg1: i32, %arg2: memref<320000xi32, #tpu.memory_space<hbm>>, %arg3: memref<320000xi32, #tpu.memory_space<hbm>>, %arg4: memref<10000x16xf32, #tpu.memory_space<hbm>>, %arg5: memref<10000x16xf32, #tpu.memory_space<hbm>>, %arg6: memref<2x10000x16xf32, #tpu.memory_space<hbm>>, %arg7: memref<10000xi32, #tpu.memory_space<vmem>>, %arg8: memref<10000xi32, #tpu.memory_space<vmem>>, %arg9: memref<2x400x16xf32, #tpu.memory_space<vmem>>, %arg10: memref<10000x16xf32, #tpu.memory_space<vmem_shared>>, %arg11: memref<2x!tpu.dma_semaphore, #tpu.memory_space<semaphore_mem>>, %arg12: memref<2x!tpu.dma_semaphore, #tpu.memory_space<semaphore_mem>>) attributes {dimension_semantics = [#tpu.dimension_semantics<core_parallel>, #tpu.dimension_semantics<subcore_parallel>], iteration_bounds = array<i64: 2, 16>, scalar_prefetch = 0 : i64, scratch_operands = 6 : i64, tpu.core_type = #tpu.core_type<sc_vector_subcore>, window_params = [{transform_indices = #map}, {transform_indices = #map}, {transform_indices = #map1}, {transform_indices = #map1}, {transform_indices = #map2}]} {
    %mul3A = arith.constant 2 : i32
    %mul3A_0 = arith.muli %arg1, %mul3A : i32
    %add3A = arith.addi %mul3A_0, %arg0 : i32
    %mul3A_1 = arith.constant 10000 : i32
    %mul3A_2 = arith.muli %add3A, %mul3A_1 : i32
    "tpu.region"() ({
      %run_scoped3A = tpu.sem_alloc : memref<!tpu.dma_semaphore, #tpu.memory_space<semaphore_mem>>
      %dma_start3A_173 = tpu.memref_slice %arg2[%mul3A_2] : memref<320000xi32, #tpu.memory_space<hbm>> -> memref<10000xi32, #tpu.memory_space<hbm>>
      %dma_start3A_174 = tpu.memref_slice %arg2[%mul3A_2] : memref<320000xi32, #tpu.memory_space<hbm>> -> memref<10000xi32, #tpu.memory_space<hbm>>
      tpu.enqueue_dma source(%dma_start3A_174 : memref<10000xi32, #tpu.memory_space<hbm>>) target(%arg7 : memref<10000xi32, #tpu.memory_space<vmem>>) target_semaphore(%run_scoped3A : memref<!tpu.dma_semaphore, #tpu.memory_space<semaphore_mem>>)
      %dma_wait3A_175 = tpu.memref_slice %arg2[%mul3A_2] : memref<320000xi32, #tpu.memory_space<hbm>> -> memref<10000xi32, #tpu.memory_space<hbm>>
      %dma_wait3A_176 = tpu.memref_slice %arg2[%mul3A_2] : memref<320000xi32, #tpu.memory_space<hbm>> -> memref<10000xi32, #tpu.memory_space<hbm>>
      tpu.wait_dma2 semaphore(%run_scoped3A : memref<!tpu.dma_semaphore, #tpu.memory_space<semaphore_mem>>) src(%dma_wait3A_176 : memref<10000xi32, #tpu.memory_space<hbm>>) dst(%arg7 : memref<10000xi32, #tpu.memory_space<vmem>>)
      tpu.yield
    }) : () -> ()
    %mul3A_3 = arith.constant 10000 : i32
    %mul3A_4 = arith.muli %add3A, %mul3A_3 : i32
    "tpu.region"() ({
      %run_scoped3A = tpu.sem_alloc : memref<!tpu.dma_semaphore, #tpu.memory_space<semaphore_mem>>
      %dma_start3A_173 = tpu.memref_slice %arg3[%mul3A_4] : memref<320000xi32, #tpu.memory_space<hbm>> -> memref<10000xi32, #tpu.memory_space<hbm>>
      %dma_start3A_174 = tpu.memref_slice %arg3[%mul3A_4] : memref<320000xi32, #tpu.memory_space<hbm>> -> memref<10000xi32, #tpu.memory_space<hbm>>
      tpu.enqueue_dma source(%dma_start3A_174 : memref<10000xi32, #tpu.memory_space<hbm>>) target(%arg8 : memref<10000xi32, #tpu.memory_space<vmem>>) target_semaphore(%run_scoped3A : memref<!tpu.dma_semaphore, #tpu.memory_space<semaphore_mem>>)
      %dma_wait3A_175 = tpu.memref_slice %arg3[%mul3A_4] : memref<320000xi32, #tpu.memory_space<hbm>> -> memref<10000xi32, #tpu.memory_space<hbm>>
      %dma_wait3A_176 = tpu.memref_slice %arg3[%mul3A_4] : memref<320000xi32, #tpu.memory_space<hbm>> -> memref<10000xi32, #tpu.memory_space<hbm>>
      tpu.wait_dma2 semaphore(%run_scoped3A : memref<!tpu.dma_semaphore, #tpu.memory_space<semaphore_mem>>) src(%dma_wait3A_176 : memref<10000xi32, #tpu.memory_space<hbm>>) dst(%arg8 : memref<10000xi32, #tpu.memory_space<vmem>>)
      tpu.yield
    }) : () -> ()
    %mul3A_5 = arith.constant 625 : i32
    %mul3A_6 = arith.muli %arg1, %mul3A_5 : i32
    %mul3A_7 = arith.constant 625 : i32
    %mul3A_8 = arith.muli %arg1, %mul3A_7 : i32
    "tpu.region"() ({
      %run_scoped3A = tpu.sem_alloc : memref<!tpu.dma_semaphore, #tpu.memory_space<semaphore_mem>>
      %dma_start3A_173 = arith.constant 0 : i32
      %dma_start3A_174 = tpu.memref_slice %arg10[%mul3A_8, %dma_start3A_173] : memref<10000x16xf32, #tpu.memory_space<vmem_shared>> -> memref<625x16xf32, #tpu.memory_space<vmem_shared>>
      %dma_start3A_175 = arith.constant 0 : i32
      %dma_start3A_176 = tpu.memref_slice %arg5[%mul3A_6, %dma_start3A_175] : memref<10000x16xf32, #tpu.memory_space<hbm>> -> memref<625x16xf32, #tpu.memory_space<hbm>>
      tpu.enqueue_dma source(%dma_start3A_176 : memref<625x16xf32, #tpu.memory_space<hbm>>) target(%dma_start3A_174 : memref<625x16xf32, #tpu.memory_space<vmem_shared>>) target_semaphore(%run_scoped3A : memref<!tpu.dma_semaphore, #tpu.memory_space<semaphore_mem>>)
      %dma_wait3A_177 = arith.constant 0 : i32
      %dma_wait3A_178 = tpu.memref_slice %arg10[%mul3A_8, %dma_wait3A_177] : memref<10000x16xf32, #tpu.memory_space<vmem_shared>> -> memref<625x16xf32, #tpu.memory_space<vmem_shared>>
      %dma_wait3A_179 = arith.constant 0 : i32
      %dma_wait3A_180 = tpu.memref_slice %arg5[%mul3A_6, %dma_wait3A_179] : memref<10000x16xf32, #tpu.memory_space<hbm>> -> memref<625x16xf32, #tpu.memory_space<hbm>>
      tpu.wait_dma2 semaphore(%run_scoped3A : memref<!tpu.dma_semaphore, #tpu.memory_space<semaphore_mem>>) src(%dma_wait3A_180 : memref<625x16xf32, #tpu.memory_space<hbm>>) dst(%dma_wait3A_178 : memref<625x16xf32, #tpu.memory_space<vmem_shared>>)
      tpu.yield
    }) : () -> ()
    %barrier3A = arith.constant 0 : index
    tpu.barrier barrier_id(%barrier3A)
    %dma_start3A = arith.constant 0 : i32
    %dma_start3A_9 = arith.constant 0 : i32
    %dma_start3A_10 = arith.constant 0 : i32
    %dma_start3A_11 = arith.constant 0 : i32
    %dma_start3A_12 = tpu.memref_slice %arg9[%dma_start3A, %dma_start3A_10, %dma_start3A_11] : memref<2x400x16xf32, #tpu.memory_space<vmem>> -> memref<1x400x16xf32, #tpu.memory_space<vmem>>
    %dma_start3A_13 = tpu.memref_squeeze %dma_start3A_12 : memref<1x400x16xf32, #tpu.memory_space<vmem>> -> memref<400x16xf32, #tpu.memory_space<vmem>>
    %dma_start3A_14 = arith.constant 0 : i32
    %dma_start3A_15 = tpu.memref_slice %arg7[%dma_start3A_14] : memref<10000xi32, #tpu.memory_space<vmem>> -> memref<400xi32, #tpu.memory_space<vmem>>
    %dma_start3A_16 = arith.constant 0 : i32
    %dma_start3A_17 = arith.constant 0 : i32
    %dma_start3A_18 = tpu.memref_slice %arg4[%dma_start3A_16, %dma_start3A_17] : memref<10000x16xf32, #tpu.memory_space<hbm>> -> memref<10000x16xf32, #tpu.memory_space<hbm>>
    %dma_start3A_19 = tpu.memref_slice %arg11[%dma_start3A_9] : memref<2x!tpu.dma_semaphore, #tpu.memory_space<semaphore_mem>> -> memref<1x!tpu.dma_semaphore, #tpu.memory_space<semaphore_mem>>
    %dma_start3A_20 = tpu.memref_squeeze %dma_start3A_19 : memref<1x!tpu.dma_semaphore, #tpu.memory_space<semaphore_mem>> -> memref<!tpu.dma_semaphore, #tpu.memory_space<semaphore_mem>>
    tpu.enqueue_indirect_dma source(%dma_start3A_18 : memref<10000x16xf32, #tpu.memory_space<hbm>>) target(%dma_start3A_13 : memref<400x16xf32, #tpu.memory_space<vmem>>) offsets(%dma_start3A_15 : memref<400xi32, #tpu.memory_space<vmem>>) semaphore(%dma_start3A_20 : memref<!tpu.dma_semaphore, #tpu.memory_space<semaphore_mem>>)
    %dma_start3A_21 = arith.constant 1 : i32
    %dma_start3A_22 = arith.constant 1 : i32
    %dma_start3A_23 = arith.constant 0 : i32
    %dma_start3A_24 = arith.constant 0 : i32
    %dma_start3A_25 = tpu.memref_slice %arg9[%dma_start3A_21, %dma_start3A_23, %dma_start3A_24] : memref<2x400x16xf32, #tpu.memory_space<vmem>> -> memref<1x400x16xf32, #tpu.memory_space<vmem>>
    %dma_start3A_26 = tpu.memref_squeeze %dma_start3A_25 : memref<1x400x16xf32, #tpu.memory_space<vmem>> -> memref<400x16xf32, #tpu.memory_space<vmem>>
    %dma_start3A_27 = arith.constant 400 : i32
    %dma_start3A_28 = tpu.memref_slice %arg7[%dma_start3A_27] : memref<10000xi32, #tpu.memory_space<vmem>> -> memref<400xi32, #tpu.memory_space<vmem>>
    %dma_start3A_29 = arith.constant 0 : i32
    %dma_start3A_30 = arith.constant 0 : i32
    %dma_start3A_31 = tpu.memref_slice %arg4[%dma_start3A_29, %dma_start3A_30] : memref<10000x16xf32, #tpu.memory_space<hbm>> -> memref<10000x16xf32, #tpu.memory_space<hbm>>
    %dma_start3A_32 = tpu.memref_slice %arg11[%dma_start3A_22] : memref<2x!tpu.dma_semaphore, #tpu.memory_space<semaphore_mem>> -> memref<1x!tpu.dma_semaphore, #tpu.memory_space<semaphore_mem>>
    %dma_start3A_33 = tpu.memref_squeeze %dma_start3A_32 : memref<1x!tpu.dma_semaphore, #tpu.memory_space<semaphore_mem>> -> memref<!tpu.dma_semaphore, #tpu.memory_space<semaphore_mem>>
    tpu.enqueue_indirect_dma source(%dma_start3A_31 : memref<10000x16xf32, #tpu.memory_space<hbm>>) target(%dma_start3A_26 : memref<400x16xf32, #tpu.memory_space<vmem>>) offsets(%dma_start3A_28 : memref<400xi32, #tpu.memory_space<vmem>>) semaphore(%dma_start3A_33 : memref<!tpu.dma_semaphore, #tpu.memory_space<semaphore_mem>>)
    %scan3A = arith.constant 0 : i32
    %scan3A_34 = arith.constant 0 : i32
    %scan3A_35 = arith.constant 11 : i32
    %scan3A_36 = arith.addi %scan3A_34, %scan3A_35 : i32
    %scan3A_37 = arith.constant 1 : i32
    scf.for %scan3A_173 = %scan3A_34 to %scan3A_36 step %scan3A_37  : i32 {
      %mul3A_174 = arith.constant 2 : i32
      %mul3A_175 = arith.muli %mul3A_174, %scan3A_173 : i32
      %mul3A_176 = arith.constant 400 : i32
      %mul3A_177 = arith.muli %mul3A_175, %mul3A_176 : i32
      %dma_wait3A_178 = arith.constant 0 : i32
      %dma_wait3A_179 = arith.constant 0 : i32
      %dma_wait3A_180 = arith.constant 0 : i32
      %dma_wait3A_181 = arith.constant 0 : i32
      %dma_wait3A_182 = tpu.memref_slice %arg9[%dma_wait3A_178, %dma_wait3A_180, %dma_wait3A_181] : memref<2x400x16xf32, #tpu.memory_space<vmem>> -> memref<1x400x16xf32, #tpu.memory_space<vmem>>
      %dma_wait3A_183 = tpu.memref_squeeze %dma_wait3A_182 : memref<1x400x16xf32, #tpu.memory_space<vmem>> -> memref<400x16xf32, #tpu.memory_space<vmem>>
      %dma_wait3A_184 = tpu.memref_slice %arg7[%mul3A_177] : memref<10000xi32, #tpu.memory_space<vmem>> -> memref<400xi32, #tpu.memory_space<vmem>>
      %dma_wait3A_185 = arith.constant 0 : i32
      %dma_wait3A_186 = arith.constant 0 : i32
      %dma_wait3A_187 = tpu.memref_slice %arg4[%dma_wait3A_185, %dma_wait3A_186] : memref<10000x16xf32, #tpu.memory_space<hbm>> -> memref<10000x16xf32, #tpu.memory_space<hbm>>
      %dma_wait3A_188 = tpu.memref_slice %arg11[%dma_wait3A_179] : memref<2x!tpu.dma_semaphore, #tpu.memory_space<semaphore_mem>> -> memref<1x!tpu.dma_semaphore, #tpu.memory_space<semaphore_mem>>
      %dma_wait3A_189 = tpu.memref_squeeze %dma_wait3A_188 : memref<1x!tpu.dma_semaphore, #tpu.memory_space<semaphore_mem>> -> memref<!tpu.dma_semaphore, #tpu.memory_space<semaphore_mem>>
      tpu.wait_indirect_dma semaphore(%dma_wait3A_189 : memref<!tpu.dma_semaphore, #tpu.memory_space<semaphore_mem>>) src(%dma_wait3A_187 : memref<10000x16xf32, #tpu.memory_space<hbm>>) dst(%dma_wait3A_183 : memref<400x16xf32, #tpu.memory_space<vmem>>)
      %mul3A_190 = arith.constant 400 : i32
      %mul3A_191 = arith.muli %mul3A_175, %mul3A_190 : i32
      %dma_start3A_192 = arith.constant 0 : i32
      %dma_start3A_193 = arith.constant 0 : i32
      %dma_start3A_194 = arith.constant 0 : i32
      %dma_start3A_195 = arith.constant 0 : i32
      %dma_start3A_196 = tpu.memref_slice %arg9[%dma_start3A_192, %dma_start3A_194, %dma_start3A_195] : memref<2x400x16xf32, #tpu.memory_space<vmem>> -> memref<1x400x16xf32, #tpu.memory_space<vmem>>
      %dma_start3A_197 = tpu.memref_squeeze %dma_start3A_196 : memref<1x400x16xf32, #tpu.memory_space<vmem>> -> memref<400x16xf32, #tpu.memory_space<vmem>>
      %dma_start3A_198 = tpu.memref_slice %arg8[%mul3A_191] : memref<10000xi32, #tpu.memory_space<vmem>> -> memref<400xi32, #tpu.memory_space<vmem>>
      %dma_start3A_199 = arith.constant 0 : i32
      %dma_start3A_200 = arith.constant 0 : i32
      %dma_start3A_201 = tpu.memref_slice %arg10[%dma_start3A_199, %dma_start3A_200] : memref<10000x16xf32, #tpu.memory_space<vmem_shared>> -> memref<10000x16xf32, #tpu.memory_space<vmem_shared>>
      %dma_start3A_202 = tpu.memref_slice %arg12[%dma_start3A_193] : memref<2x!tpu.dma_semaphore, #tpu.memory_space<semaphore_mem>> -> memref<1x!tpu.dma_semaphore, #tpu.memory_space<semaphore_mem>>
      %dma_start3A_203 = tpu.memref_squeeze %dma_start3A_202 : memref<1x!tpu.dma_semaphore, #tpu.memory_space<semaphore_mem>> -> memref<!tpu.dma_semaphore, #tpu.memory_space<semaphore_mem>>
      tpu.enqueue_indirect_dma source(%dma_start3A_197 : memref<400x16xf32, #tpu.memory_space<vmem>>) target(%dma_start3A_201 : memref<10000x16xf32, #tpu.memory_space<vmem_shared>>) offsets(%dma_start3A_198 : memref<400xi32, #tpu.memory_space<vmem>>) semaphore(%dma_start3A_203 : memref<!tpu.dma_semaphore, #tpu.memory_space<semaphore_mem>>) {add = true}
      %mul3A_204 = arith.constant 2 : i32
      %mul3A_205 = arith.muli %mul3A_204, %scan3A_173 : i32
      %mul3A_206 = arith.constant 400 : i32
      %mul3A_207 = arith.muli %mul3A_205, %mul3A_206 : i32
      %dma_wait3A_208 = arith.constant 0 : i32
      %dma_wait3A_209 = arith.constant 0 : i32
      %dma_wait3A_210 = arith.constant 0 : i32
      %dma_wait3A_211 = arith.constant 0 : i32
      %dma_wait3A_212 = tpu.memref_slice %arg9[%dma_wait3A_208, %dma_wait3A_210, %dma_wait3A_211] : memref<2x400x16xf32, #tpu.memory_space<vmem>> -> memref<1x400x16xf32, #tpu.memory_space<vmem>>
      %dma_wait3A_213 = tpu.memref_squeeze %dma_wait3A_212 : memref<1x400x16xf32, #tpu.memory_space<vmem>> -> memref<400x16xf32, #tpu.memory_space<vmem>>
      %dma_wait3A_214 = tpu.memref_slice %arg8[%mul3A_207] : memref<10000xi32, #tpu.memory_space<vmem>> -> memref<400xi32, #tpu.memory_space<vmem>>
      %dma_wait3A_215 = arith.constant 0 : i32
      %dma_wait3A_216 = arith.constant 0 : i32
      %dma_wait3A_217 = tpu.memref_slice %arg10[%dma_wait3A_215, %dma_wait3A_216] : memref<10000x16xf32, #tpu.memory_space<vmem_shared>> -> memref<10000x16xf32, #tpu.memory_space<vmem_shared>>
      %dma_wait3A_218 = tpu.memref_slice %arg12[%dma_wait3A_209] : memref<2x!tpu.dma_semaphore, #tpu.memory_space<semaphore_mem>> -> memref<1x!tpu.dma_semaphore, #tpu.memory_space<semaphore_mem>>
      %dma_wait3A_219 = tpu.memref_squeeze %dma_wait3A_218 : memref<1x!tpu.dma_semaphore, #tpu.memory_space<semaphore_mem>> -> memref<!tpu.dma_semaphore, #tpu.memory_space<semaphore_mem>>
      tpu.wait_indirect_dma semaphore(%dma_wait3A_219 : memref<!tpu.dma_semaphore, #tpu.memory_space<semaphore_mem>>) src(%dma_wait3A_213 : memref<400x16xf32, #tpu.memory_space<vmem>>) dst(%dma_wait3A_217 : memref<10000x16xf32, #tpu.memory_space<vmem_shared>>)
      %mul3A_220 = arith.constant 2 : i32
      %mul3A_221 = arith.muli %mul3A_220, %scan3A_173 : i32
      %add3A_222 = arith.constant 2 : i32
      %add3A_223 = arith.addi %mul3A_221, %add3A_222 : i32
      %mul3A_224 = arith.constant 400 : i32
      %mul3A_225 = arith.muli %add3A_223, %mul3A_224 : i32
      %dma_start3A_226 = arith.constant 0 : i32
      %dma_start3A_227 = arith.constant 0 : i32
      %dma_start3A_228 = arith.constant 0 : i32
      %dma_start3A_229 = arith.constant 0 : i32
      %dma_start3A_230 = tpu.memref_slice %arg9[%dma_start3A_226, %dma_start3A_228, %dma_start3A_229] : memref<2x400x16xf32, #tpu.memory_space<vmem>> -> memref<1x400x16xf32, #tpu.memory_space<vmem>>
      %dma_start3A_231 = tpu.memref_squeeze %dma_start3A_230 : memref<1x400x16xf32, #tpu.memory_space<vmem>> -> memref<400x16xf32, #tpu.memory_space<vmem>>
      %dma_start3A_232 = tpu.memref_slice %arg7[%mul3A_225] : memref<10000xi32, #tpu.memory_space<vmem>> -> memref<400xi32, #tpu.memory_space<vmem>>
      %dma_start3A_233 = arith.constant 0 : i32
      %dma_start3A_234 = arith.constant 0 : i32
      %dma_start3A_235 = tpu.memref_slice %arg4[%dma_start3A_233, %dma_start3A_234] : memref<10000x16xf32, #tpu.memory_space<hbm>> -> memref<10000x16xf32, #tpu.memory_space<hbm>>
      %dma_start3A_236 = tpu.memref_slice %arg11[%dma_start3A_227] : memref<2x!tpu.dma_semaphore, #tpu.memory_space<semaphore_mem>> -> memref<1x!tpu.dma_semaphore, #tpu.memory_space<semaphore_mem>>
      %dma_start3A_237 = tpu.memref_squeeze %dma_start3A_236 : memref<1x!tpu.dma_semaphore, #tpu.memory_space<semaphore_mem>> -> memref<!tpu.dma_semaphore, #tpu.memory_space<semaphore_mem>>
      tpu.enqueue_indirect_dma source(%dma_start3A_235 : memref<10000x16xf32, #tpu.memory_space<hbm>>) target(%dma_start3A_231 : memref<400x16xf32, #tpu.memory_space<vmem>>) offsets(%dma_start3A_232 : memref<400xi32, #tpu.memory_space<vmem>>) semaphore(%dma_start3A_237 : memref<!tpu.dma_semaphore, #tpu.memory_space<semaphore_mem>>)
      %mul3A_238 = arith.constant 2 : i32
      %mul3A_239 = arith.muli %mul3A_238, %scan3A_173 : i32
      %add3A_240 = arith.constant 1 : i32
      %add3A_241 = arith.addi %mul3A_239, %add3A_240 : i32
      %mul3A_242 = arith.constant 400 : i32
      %mul3A_243 = arith.muli %add3A_241, %mul3A_242 : i32
      %dma_wait3A_244 = arith.constant 1 : i32
      %dma_wait3A_245 = arith.constant 1 : i32
      %dma_wait3A_246 = arith.constant 0 : i32
      %dma_wait3A_247 = arith.constant 0 : i32
      %dma_wait3A_248 = tpu.memref_slice %arg9[%dma_wait3A_244, %dma_wait3A_246, %dma_wait3A_247] : memref<2x400x16xf32, #tpu.memory_space<vmem>> -> memref<1x400x16xf32, #tpu.memory_space<vmem>>
      %dma_wait3A_249 = tpu.memref_squeeze %dma_wait3A_248 : memref<1x400x16xf32, #tpu.memory_space<vmem>> -> memref<400x16xf32, #tpu.memory_space<vmem>>
      %dma_wait3A_250 = tpu.memref_slice %arg7[%mul3A_243] : memref<10000xi32, #tpu.memory_space<vmem>> -> memref<400xi32, #tpu.memory_space<vmem>>
      %dma_wait3A_251 = arith.constant 0 : i32
      %dma_wait3A_252 = arith.constant 0 : i32
      %dma_wait3A_253 = tpu.memref_slice %arg4[%dma_wait3A_251, %dma_wait3A_252] : memref<10000x16xf32, #tpu.memory_space<hbm>> -> memref<10000x16xf32, #tpu.memory_space<hbm>>
      %dma_wait3A_254 = tpu.memref_slice %arg11[%dma_wait3A_245] : memref<2x!tpu.dma_semaphore, #tpu.memory_space<semaphore_mem>> -> memref<1x!tpu.dma_semaphore, #tpu.memory_space<semaphore_mem>>
      %dma_wait3A_255 = tpu.memref_squeeze %dma_wait3A_254 : memref<1x!tpu.dma_semaphore, #tpu.memory_space<semaphore_mem>> -> memref<!tpu.dma_semaphore, #tpu.memory_space<semaphore_mem>>
      tpu.wait_indirect_dma semaphore(%dma_wait3A_255 : memref<!tpu.dma_semaphore, #tpu.memory_space<semaphore_mem>>) src(%dma_wait3A_253 : memref<10000x16xf32, #tpu.memory_space<hbm>>) dst(%dma_wait3A_249 : memref<400x16xf32, #tpu.memory_space<vmem>>)
      %mul3A_256 = arith.constant 400 : i32
      %mul3A_257 = arith.muli %add3A_241, %mul3A_256 : i32
      %dma_start3A_258 = arith.constant 1 : i32
      %dma_start3A_259 = arith.constant 1 : i32
      %dma_start3A_260 = arith.constant 0 : i32
      %dma_start3A_261 = arith.constant 0 : i32
      %dma_start3A_262 = tpu.memref_slice %arg9[%dma_start3A_258, %dma_start3A_260, %dma_start3A_261] : memref<2x400x16xf32, #tpu.memory_space<vmem>> -> memref<1x400x16xf32, #tpu.memory_space<vmem>>
      %dma_start3A_263 = tpu.memref_squeeze %dma_start3A_262 : memref<1x400x16xf32, #tpu.memory_space<vmem>> -> memref<400x16xf32, #tpu.memory_space<vmem>>
      %dma_start3A_264 = tpu.memref_slice %arg8[%mul3A_257] : memref<10000xi32, #tpu.memory_space<vmem>> -> memref<400xi32, #tpu.memory_space<vmem>>
      %dma_start3A_265 = arith.constant 0 : i32
      %dma_start3A_266 = arith.constant 0 : i32
      %dma_start3A_267 = tpu.memref_slice %arg10[%dma_start3A_265, %dma_start3A_266] : memref<10000x16xf32, #tpu.memory_space<vmem_shared>> -> memref<10000x16xf32, #tpu.memory_space<vmem_shared>>
      %dma_start3A_268 = tpu.memref_slice %arg12[%dma_start3A_259] : memref<2x!tpu.dma_semaphore, #tpu.memory_space<semaphore_mem>> -> memref<1x!tpu.dma_semaphore, #tpu.memory_space<semaphore_mem>>
      %dma_start3A_269 = tpu.memref_squeeze %dma_start3A_268 : memref<1x!tpu.dma_semaphore, #tpu.memory_space<semaphore_mem>> -> memref<!tpu.dma_semaphore, #tpu.memory_space<semaphore_mem>>
      tpu.enqueue_indirect_dma source(%dma_start3A_263 : memref<400x16xf32, #tpu.memory_space<vmem>>) target(%dma_start3A_267 : memref<10000x16xf32, #tpu.memory_space<vmem_shared>>) offsets(%dma_start3A_264 : memref<400xi32, #tpu.memory_space<vmem>>) semaphore(%dma_start3A_269 : memref<!tpu.dma_semaphore, #tpu.memory_space<semaphore_mem>>) {add = true}
      %mul3A_270 = arith.constant 2 : i32
      %mul3A_271 = arith.muli %mul3A_270, %scan3A_173 : i32
      %add3A_272 = arith.constant 1 : i32
      %add3A_273 = arith.addi %mul3A_271, %add3A_272 : i32
      %mul3A_274 = arith.constant 400 : i32
      %mul3A_275 = arith.muli %add3A_273, %mul3A_274 : i32
      %dma_wait3A_276 = arith.constant 1 : i32
      %dma_wait3A_277 = arith.constant 1 : i32
      %dma_wait3A_278 = arith.constant 0 : i32
      %dma_wait3A_279 = arith.constant 0 : i32
      %dma_wait3A_280 = tpu.memref_slice %arg9[%dma_wait3A_276, %dma_wait3A_278, %dma_wait3A_279] : memref<2x400x16xf32, #tpu.memory_space<vmem>> -> memref<1x400x16xf32, #tpu.memory_space<vmem>>
      %dma_wait3A_281 = tpu.memref_squeeze %dma_wait3A_280 : memref<1x400x16xf32, #tpu.memory_space<vmem>> -> memref<400x16xf32, #tpu.memory_space<vmem>>
      %dma_wait3A_282 = tpu.memref_slice %arg8[%mul3A_275] : memref<10000xi32, #tpu.memory_space<vmem>> -> memref<400xi32, #tpu.memory_space<vmem>>
      %dma_wait3A_283 = arith.constant 0 : i32
      %dma_wait3A_284 = arith.constant 0 : i32
      %dma_wait3A_285 = tpu.memref_slice %arg10[%dma_wait3A_283, %dma_wait3A_284] : memref<10000x16xf32, #tpu.memory_space<vmem_shared>> -> memref<10000x16xf32, #tpu.memory_space<vmem_shared>>
      %dma_wait3A_286 = tpu.memref_slice %arg12[%dma_wait3A_277] : memref<2x!tpu.dma_semaphore, #tpu.memory_space<semaphore_mem>> -> memref<1x!tpu.dma_semaphore, #tpu.memory_space<semaphore_mem>>
      %dma_wait3A_287 = tpu.memref_squeeze %dma_wait3A_286 : memref<1x!tpu.dma_semaphore, #tpu.memory_space<semaphore_mem>> -> memref<!tpu.dma_semaphore, #tpu.memory_space<semaphore_mem>>
      tpu.wait_indirect_dma semaphore(%dma_wait3A_287 : memref<!tpu.dma_semaphore, #tpu.memory_space<semaphore_mem>>) src(%dma_wait3A_281 : memref<400x16xf32, #tpu.memory_space<vmem>>) dst(%dma_wait3A_285 : memref<10000x16xf32, #tpu.memory_space<vmem_shared>>)
      %mul3A_288 = arith.constant 2 : i32
      %mul3A_289 = arith.muli %mul3A_288, %scan3A_173 : i32
      %add3A_290 = arith.constant 3 : i32
      %add3A_291 = arith.addi %mul3A_289, %add3A_290 : i32
      %mul3A_292 = arith.constant 400 : i32
      %mul3A_293 = arith.muli %add3A_291, %mul3A_292 : i32
      %dma_start3A_294 = arith.constant 1 : i32
      %dma_start3A_295 = arith.constant 1 : i32
      %dma_start3A_296 = arith.constant 0 : i32
      %dma_start3A_297 = arith.constant 0 : i32
      %dma_start3A_298 = tpu.memref_slice %arg9[%dma_start3A_294, %dma_start3A_296, %dma_start3A_297] : memref<2x400x16xf32, #tpu.memory_space<vmem>> -> memref<1x400x16xf32, #tpu.memory_space<vmem>>
      %dma_start3A_299 = tpu.memref_squeeze %dma_start3A_298 : memref<1x400x16xf32, #tpu.memory_space<vmem>> -> memref<400x16xf32, #tpu.memory_space<vmem>>
      %dma_start3A_300 = tpu.memref_slice %arg7[%mul3A_293] : memref<10000xi32, #tpu.memory_space<vmem>> -> memref<400xi32, #tpu.memory_space<vmem>>
      %dma_start3A_301 = arith.constant 0 : i32
      %dma_start3A_302 = arith.constant 0 : i32
      %dma_start3A_303 = tpu.memref_slice %arg4[%dma_start3A_301, %dma_start3A_302] : memref<10000x16xf32, #tpu.memory_space<hbm>> -> memref<10000x16xf32, #tpu.memory_space<hbm>>
      %dma_start3A_304 = tpu.memref_slice %arg11[%dma_start3A_295] : memref<2x!tpu.dma_semaphore, #tpu.memory_space<semaphore_mem>> -> memref<1x!tpu.dma_semaphore, #tpu.memory_space<semaphore_mem>>
      %dma_start3A_305 = tpu.memref_squeeze %dma_start3A_304 : memref<1x!tpu.dma_semaphore, #tpu.memory_space<semaphore_mem>> -> memref<!tpu.dma_semaphore, #tpu.memory_space<semaphore_mem>>
      tpu.enqueue_indirect_dma source(%dma_start3A_303 : memref<10000x16xf32, #tpu.memory_space<hbm>>) target(%dma_start3A_299 : memref<400x16xf32, #tpu.memory_space<vmem>>) offsets(%dma_start3A_300 : memref<400xi32, #tpu.memory_space<vmem>>) semaphore(%dma_start3A_305 : memref<!tpu.dma_semaphore, #tpu.memory_space<semaphore_mem>>)
    }
    %scan3A_38 = arith.constant 11 : i32
    %dma_wait3A = arith.constant 0 : i32
    %dma_wait3A_39 = arith.constant 0 : i32
    %dma_wait3A_40 = arith.constant 0 : i32
    %dma_wait3A_41 = arith.constant 0 : i32
    %dma_wait3A_42 = tpu.memref_slice %arg9[%dma_wait3A, %dma_wait3A_40, %dma_wait3A_41] : memref<2x400x16xf32, #tpu.memory_space<vmem>> -> memref<1x400x16xf32, #tpu.memory_space<vmem>>
    %dma_wait3A_43 = tpu.memref_squeeze %dma_wait3A_42 : memref<1x400x16xf32, #tpu.memory_space<vmem>> -> memref<400x16xf32, #tpu.memory_space<vmem>>
    %dma_wait3A_44 = arith.constant 8800 : i32
    %dma_wait3A_45 = tpu.memref_slice %arg7[%dma_wait3A_44] : memref<10000xi32, #tpu.memory_space<vmem>> -> memref<400xi32, #tpu.memory_space<vmem>>
    %dma_wait3A_46 = arith.constant 0 : i32
    %dma_wait3A_47 = arith.constant 0 : i32
    %dma_wait3A_48 = tpu.memref_slice %arg4[%dma_wait3A_46, %dma_wait3A_47] : memref<10000x16xf32, #tpu.memory_space<hbm>> -> memref<10000x16xf32, #tpu.memory_space<hbm>>
    %dma_wait3A_49 = tpu.memref_slice %arg11[%dma_wait3A_39] : memref<2x!tpu.dma_semaphore, #tpu.memory_space<semaphore_mem>> -> memref<1x!tpu.dma_semaphore, #tpu.memory_space<semaphore_mem>>
    %dma_wait3A_50 = tpu.memref_squeeze %dma_wait3A_49 : memref<1x!tpu.dma_semaphore, #tpu.memory_space<semaphore_mem>> -> memref<!tpu.dma_semaphore, #tpu.memory_space<semaphore_mem>>
    tpu.wait_indirect_dma semaphore(%dma_wait3A_50 : memref<!tpu.dma_semaphore, #tpu.memory_space<semaphore_mem>>) src(%dma_wait3A_48 : memref<10000x16xf32, #tpu.memory_space<hbm>>) dst(%dma_wait3A_43 : memref<400x16xf32, #tpu.memory_space<vmem>>)
    %dma_start3A_51 = arith.constant 0 : i32
    %dma_start3A_52 = arith.constant 0 : i32
    %dma_start3A_53 = arith.constant 0 : i32
    %dma_start3A_54 = arith.constant 0 : i32
    %dma_start3A_55 = tpu.memref_slice %arg9[%dma_start3A_51, %dma_start3A_53, %dma_start3A_54] : memref<2x400x16xf32, #tpu.memory_space<vmem>> -> memref<1x400x16xf32, #tpu.memory_space<vmem>>
    %dma_start3A_56 = tpu.memref_squeeze %dma_start3A_55 : memref<1x400x16xf32, #tpu.memory_space<vmem>> -> memref<400x16xf32, #tpu.memory_space<vmem>>
    %dma_start3A_57 = arith.constant 8800 : i32
    %dma_start3A_58 = tpu.memref_slice %arg8[%dma_start3A_57] : memref<10000xi32, #tpu.memory_space<vmem>> -> memref<400xi32, #tpu.memory_space<vmem>>
    %dma_start3A_59 = arith.constant 0 : i32
    %dma_start3A_60 = arith.constant 0 : i32
    %dma_start3A_61 = tpu.memref_slice %arg10[%dma_start3A_59, %dma_start3A_60] : memref<10000x16xf32, #tpu.memory_space<vmem_shared>> -> memref<10000x16xf32, #tpu.memory_space<vmem_shared>>
    %dma_start3A_62 = tpu.memref_slice %arg12[%dma_start3A_52] : memref<2x!tpu.dma_semaphore, #tpu.memory_space<semaphore_mem>> -> memref<1x!tpu.dma_semaphore, #tpu.memory_space<semaphore_mem>>
    %dma_start3A_63 = tpu.memref_squeeze %dma_start3A_62 : memref<1x!tpu.dma_semaphore, #tpu.memory_space<semaphore_mem>> -> memref<!tpu.dma_semaphore, #tpu.memory_space<semaphore_mem>>
    tpu.enqueue_indirect_dma source(%dma_start3A_56 : memref<400x16xf32, #tpu.memory_space<vmem>>) target(%dma_start3A_61 : memref<10000x16xf32, #tpu.memory_space<vmem_shared>>) offsets(%dma_start3A_58 : memref<400xi32, #tpu.memory_space<vmem>>) semaphore(%dma_start3A_63 : memref<!tpu.dma_semaphore, #tpu.memory_space<semaphore_mem>>) {add = true}
    %dma_wait3A_64 = arith.constant 0 : i32
    %dma_wait3A_65 = arith.constant 0 : i32
    %dma_wait3A_66 = arith.constant 0 : i32
    %dma_wait3A_67 = arith.constant 0 : i32
    %dma_wait3A_68 = tpu.memref_slice %arg9[%dma_wait3A_64, %dma_wait3A_66, %dma_wait3A_67] : memref<2x400x16xf32, #tpu.memory_space<vmem>> -> memref<1x400x16xf32, #tpu.memory_space<vmem>>
    %dma_wait3A_69 = tpu.memref_squeeze %dma_wait3A_68 : memref<1x400x16xf32, #tpu.memory_space<vmem>> -> memref<400x16xf32, #tpu.memory_space<vmem>>
    %dma_wait3A_70 = arith.constant 8800 : i32
    %dma_wait3A_71 = tpu.memref_slice %arg8[%dma_wait3A_70] : memref<10000xi32, #tpu.memory_space<vmem>> -> memref<400xi32, #tpu.memory_space<vmem>>
    %dma_wait3A_72 = arith.constant 0 : i32
    %dma_wait3A_73 = arith.constant 0 : i32
    %dma_wait3A_74 = tpu.memref_slice %arg10[%dma_wait3A_72, %dma_wait3A_73] : memref<10000x16xf32, #tpu.memory_space<vmem_shared>> -> memref<10000x16xf32, #tpu.memory_space<vmem_shared>>
    %dma_wait3A_75 = tpu.memref_slice %arg12[%dma_wait3A_65] : memref<2x!tpu.dma_semaphore, #tpu.memory_space<semaphore_mem>> -> memref<1x!tpu.dma_semaphore, #tpu.memory_space<semaphore_mem>>
    %dma_wait3A_76 = tpu.memref_squeeze %dma_wait3A_75 : memref<1x!tpu.dma_semaphore, #tpu.memory_space<semaphore_mem>> -> memref<!tpu.dma_semaphore, #tpu.memory_space<semaphore_mem>>
    tpu.wait_indirect_dma semaphore(%dma_wait3A_76 : memref<!tpu.dma_semaphore, #tpu.memory_space<semaphore_mem>>) src(%dma_wait3A_69 : memref<400x16xf32, #tpu.memory_space<vmem>>) dst(%dma_wait3A_74 : memref<10000x16xf32, #tpu.memory_space<vmem_shared>>)
    %dma_start3A_77 = arith.constant 0 : i32
    %dma_start3A_78 = arith.constant 0 : i32
    %dma_start3A_79 = arith.constant 0 : i32
    %dma_start3A_80 = arith.constant 0 : i32
    %dma_start3A_81 = tpu.memref_slice %arg9[%dma_start3A_77, %dma_start3A_79, %dma_start3A_80] : memref<2x400x16xf32, #tpu.memory_space<vmem>> -> memref<1x400x16xf32, #tpu.memory_space<vmem>>
    %dma_start3A_82 = tpu.memref_squeeze %dma_start3A_81 : memref<1x400x16xf32, #tpu.memory_space<vmem>> -> memref<400x16xf32, #tpu.memory_space<vmem>>
    %dma_start3A_83 = arith.constant 9600 : i32
    %dma_start3A_84 = tpu.memref_slice %arg7[%dma_start3A_83] : memref<10000xi32, #tpu.memory_space<vmem>> -> memref<400xi32, #tpu.memory_space<vmem>>
    %dma_start3A_85 = arith.constant 0 : i32
    %dma_start3A_86 = arith.constant 0 : i32
    %dma_start3A_87 = tpu.memref_slice %arg4[%dma_start3A_85, %dma_start3A_86] : memref<10000x16xf32, #tpu.memory_space<hbm>> -> memref<10000x16xf32, #tpu.memory_space<hbm>>
    %dma_start3A_88 = tpu.memref_slice %arg11[%dma_start3A_78] : memref<2x!tpu.dma_semaphore, #tpu.memory_space<semaphore_mem>> -> memref<1x!tpu.dma_semaphore, #tpu.memory_space<semaphore_mem>>
    %dma_start3A_89 = tpu.memref_squeeze %dma_start3A_88 : memref<1x!tpu.dma_semaphore, #tpu.memory_space<semaphore_mem>> -> memref<!tpu.dma_semaphore, #tpu.memory_space<semaphore_mem>>
    tpu.enqueue_indirect_dma source(%dma_start3A_87 : memref<10000x16xf32, #tpu.memory_space<hbm>>) target(%dma_start3A_82 : memref<400x16xf32, #tpu.memory_space<vmem>>) offsets(%dma_start3A_84 : memref<400xi32, #tpu.memory_space<vmem>>) semaphore(%dma_start3A_89 : memref<!tpu.dma_semaphore, #tpu.memory_space<semaphore_mem>>)
    %dma_wait3A_90 = arith.constant 1 : i32
    %dma_wait3A_91 = arith.constant 1 : i32
    %dma_wait3A_92 = arith.constant 0 : i32
    %dma_wait3A_93 = arith.constant 0 : i32
    %dma_wait3A_94 = tpu.memref_slice %arg9[%dma_wait3A_90, %dma_wait3A_92, %dma_wait3A_93] : memref<2x400x16xf32, #tpu.memory_space<vmem>> -> memref<1x400x16xf32, #tpu.memory_space<vmem>>
    %dma_wait3A_95 = tpu.memref_squeeze %dma_wait3A_94 : memref<1x400x16xf32, #tpu.memory_space<vmem>> -> memref<400x16xf32, #tpu.memory_space<vmem>>
    %dma_wait3A_96 = arith.constant 9200 : i32
    %dma_wait3A_97 = tpu.memref_slice %arg7[%dma_wait3A_96] : memref<10000xi32, #tpu.memory_space<vmem>> -> memref<400xi32, #tpu.memory_space<vmem>>
    %dma_wait3A_98 = arith.constant 0 : i32
    %dma_wait3A_99 = arith.constant 0 : i32
    %dma_wait3A_100 = tpu.memref_slice %arg4[%dma_wait3A_98, %dma_wait3A_99] : memref<10000x16xf32, #tpu.memory_space<hbm>> -> memref<10000x16xf32, #tpu.memory_space<hbm>>
    %dma_wait3A_101 = tpu.memref_slice %arg11[%dma_wait3A_91] : memref<2x!tpu.dma_semaphore, #tpu.memory_space<semaphore_mem>> -> memref<1x!tpu.dma_semaphore, #tpu.memory_space<semaphore_mem>>
    %dma_wait3A_102 = tpu.memref_squeeze %dma_wait3A_101 : memref<1x!tpu.dma_semaphore, #tpu.memory_space<semaphore_mem>> -> memref<!tpu.dma_semaphore, #tpu.memory_space<semaphore_mem>>
    tpu.wait_indirect_dma semaphore(%dma_wait3A_102 : memref<!tpu.dma_semaphore, #tpu.memory_space<semaphore_mem>>) src(%dma_wait3A_100 : memref<10000x16xf32, #tpu.memory_space<hbm>>) dst(%dma_wait3A_95 : memref<400x16xf32, #tpu.memory_space<vmem>>)
    %dma_start3A_103 = arith.constant 1 : i32
    %dma_start3A_104 = arith.constant 1 : i32
    %dma_start3A_105 = arith.constant 0 : i32
    %dma_start3A_106 = arith.constant 0 : i32
    %dma_start3A_107 = tpu.memref_slice %arg9[%dma_start3A_103, %dma_start3A_105, %dma_start3A_106] : memref<2x400x16xf32, #tpu.memory_space<vmem>> -> memref<1x400x16xf32, #tpu.memory_space<vmem>>
    %dma_start3A_108 = tpu.memref_squeeze %dma_start3A_107 : memref<1x400x16xf32, #tpu.memory_space<vmem>> -> memref<400x16xf32, #tpu.memory_space<vmem>>
    %dma_start3A_109 = arith.constant 9200 : i32
    %dma_start3A_110 = tpu.memref_slice %arg8[%dma_start3A_109] : memref<10000xi32, #tpu.memory_space<vmem>> -> memref<400xi32, #tpu.memory_space<vmem>>
    %dma_start3A_111 = arith.constant 0 : i32
    %dma_start3A_112 = arith.constant 0 : i32
    %dma_start3A_113 = tpu.memref_slice %arg10[%dma_start3A_111, %dma_start3A_112] : memref<10000x16xf32, #tpu.memory_space<vmem_shared>> -> memref<10000x16xf32, #tpu.memory_space<vmem_shared>>
    %dma_start3A_114 = tpu.memref_slice %arg12[%dma_start3A_104] : memref<2x!tpu.dma_semaphore, #tpu.memory_space<semaphore_mem>> -> memref<1x!tpu.dma_semaphore, #tpu.memory_space<semaphore_mem>>
    %dma_start3A_115 = tpu.memref_squeeze %dma_start3A_114 : memref<1x!tpu.dma_semaphore, #tpu.memory_space<semaphore_mem>> -> memref<!tpu.dma_semaphore, #tpu.memory_space<semaphore_mem>>
    tpu.enqueue_indirect_dma source(%dma_start3A_108 : memref<400x16xf32, #tpu.memory_space<vmem>>) target(%dma_start3A_113 : memref<10000x16xf32, #tpu.memory_space<vmem_shared>>) offsets(%dma_start3A_110 : memref<400xi32, #tpu.memory_space<vmem>>) semaphore(%dma_start3A_115 : memref<!tpu.dma_semaphore, #tpu.memory_space<semaphore_mem>>) {add = true}
    %dma_wait3A_116 = arith.constant 1 : i32
    %dma_wait3A_117 = arith.constant 1 : i32
    %dma_wait3A_118 = arith.constant 0 : i32
    %dma_wait3A_119 = arith.constant 0 : i32
    %dma_wait3A_120 = tpu.memref_slice %arg9[%dma_wait3A_116, %dma_wait3A_118, %dma_wait3A_119] : memref<2x400x16xf32, #tpu.memory_space<vmem>> -> memref<1x400x16xf32, #tpu.memory_space<vmem>>
    %dma_wait3A_121 = tpu.memref_squeeze %dma_wait3A_120 : memref<1x400x16xf32, #tpu.memory_space<vmem>> -> memref<400x16xf32, #tpu.memory_space<vmem>>
    %dma_wait3A_122 = arith.constant 9200 : i32
    %dma_wait3A_123 = tpu.memref_slice %arg8[%dma_wait3A_122] : memref<10000xi32, #tpu.memory_space<vmem>> -> memref<400xi32, #tpu.memory_space<vmem>>
    %dma_wait3A_124 = arith.constant 0 : i32
    %dma_wait3A_125 = arith.constant 0 : i32
    %dma_wait3A_126 = tpu.memref_slice %arg10[%dma_wait3A_124, %dma_wait3A_125] : memref<10000x16xf32, #tpu.memory_space<vmem_shared>> -> memref<10000x16xf32, #tpu.memory_space<vmem_shared>>
    %dma_wait3A_127 = tpu.memref_slice %arg12[%dma_wait3A_117] : memref<2x!tpu.dma_semaphore, #tpu.memory_space<semaphore_mem>> -> memref<1x!tpu.dma_semaphore, #tpu.memory_space<semaphore_mem>>
    %dma_wait3A_128 = tpu.memref_squeeze %dma_wait3A_127 : memref<1x!tpu.dma_semaphore, #tpu.memory_space<semaphore_mem>> -> memref<!tpu.dma_semaphore, #tpu.memory_space<semaphore_mem>>
    tpu.wait_indirect_dma semaphore(%dma_wait3A_128 : memref<!tpu.dma_semaphore, #tpu.memory_space<semaphore_mem>>) src(%dma_wait3A_121 : memref<400x16xf32, #tpu.memory_space<vmem>>) dst(%dma_wait3A_126 : memref<10000x16xf32, #tpu.memory_space<vmem_shared>>)
    %dma_wait3A_129 = arith.constant 0 : i32
    %dma_wait3A_130 = arith.constant 0 : i32
    %dma_wait3A_131 = arith.constant 0 : i32
    %dma_wait3A_132 = arith.constant 0 : i32
    %dma_wait3A_133 = tpu.memref_slice %arg9[%dma_wait3A_129, %dma_wait3A_131, %dma_wait3A_132] : memref<2x400x16xf32, #tpu.memory_space<vmem>> -> memref<1x400x16xf32, #tpu.memory_space<vmem>>
    %dma_wait3A_134 = tpu.memref_squeeze %dma_wait3A_133 : memref<1x400x16xf32, #tpu.memory_space<vmem>> -> memref<400x16xf32, #tpu.memory_space<vmem>>
    %dma_wait3A_135 = arith.constant 9600 : i32
    %dma_wait3A_136 = tpu.memref_slice %arg7[%dma_wait3A_135] : memref<10000xi32, #tpu.memory_space<vmem>> -> memref<400xi32, #tpu.memory_space<vmem>>
    %dma_wait3A_137 = arith.constant 0 : i32
    %dma_wait3A_138 = arith.constant 0 : i32
    %dma_wait3A_139 = tpu.memref_slice %arg4[%dma_wait3A_137, %dma_wait3A_138] : memref<10000x16xf32, #tpu.memory_space<hbm>> -> memref<10000x16xf32, #tpu.memory_space<hbm>>
    %dma_wait3A_140 = tpu.memref_slice %arg11[%dma_wait3A_130] : memref<2x!tpu.dma_semaphore, #tpu.memory_space<semaphore_mem>> -> memref<1x!tpu.dma_semaphore, #tpu.memory_space<semaphore_mem>>
    %dma_wait3A_141 = tpu.memref_squeeze %dma_wait3A_140 : memref<1x!tpu.dma_semaphore, #tpu.memory_space<semaphore_mem>> -> memref<!tpu.dma_semaphore, #tpu.memory_space<semaphore_mem>>
    tpu.wait_indirect_dma semaphore(%dma_wait3A_141 : memref<!tpu.dma_semaphore, #tpu.memory_space<semaphore_mem>>) src(%dma_wait3A_139 : memref<10000x16xf32, #tpu.memory_space<hbm>>) dst(%dma_wait3A_134 : memref<400x16xf32, #tpu.memory_space<vmem>>)
    %dma_start3A_142 = arith.constant 0 : i32
    %dma_start3A_143 = arith.constant 0 : i32
    %dma_start3A_144 = arith.constant 0 : i32
    %dma_start3A_145 = arith.constant 0 : i32
    %dma_start3A_146 = tpu.memref_slice %arg9[%dma_start3A_142, %dma_start3A_144, %dma_start3A_145] : memref<2x400x16xf32, #tpu.memory_space<vmem>> -> memref<1x400x16xf32, #tpu.memory_space<vmem>>
    %dma_start3A_147 = tpu.memref_squeeze %dma_start3A_146 : memref<1x400x16xf32, #tpu.memory_space<vmem>> -> memref<400x16xf32, #tpu.memory_space<vmem>>
    %dma_start3A_148 = arith.constant 9600 : i32
    %dma_start3A_149 = tpu.memref_slice %arg8[%dma_start3A_148] : memref<10000xi32, #tpu.memory_space<vmem>> -> memref<400xi32, #tpu.memory_space<vmem>>
    %dma_start3A_150 = arith.constant 0 : i32
    %dma_start3A_151 = arith.constant 0 : i32
    %dma_start3A_152 = tpu.memref_slice %arg10[%dma_start3A_150, %dma_start3A_151] : memref<10000x16xf32, #tpu.memory_space<vmem_shared>> -> memref<10000x16xf32, #tpu.memory_space<vmem_shared>>
    %dma_start3A_153 = tpu.memref_slice %arg12[%dma_start3A_143] : memref<2x!tpu.dma_semaphore, #tpu.memory_space<semaphore_mem>> -> memref<1x!tpu.dma_semaphore, #tpu.memory_space<semaphore_mem>>
    %dma_start3A_154 = tpu.memref_squeeze %dma_start3A_153 : memref<1x!tpu.dma_semaphore, #tpu.memory_space<semaphore_mem>> -> memref<!tpu.dma_semaphore, #tpu.memory_space<semaphore_mem>>
    tpu.enqueue_indirect_dma source(%dma_start3A_147 : memref<400x16xf32, #tpu.memory_space<vmem>>) target(%dma_start3A_152 : memref<10000x16xf32, #tpu.memory_space<vmem_shared>>) offsets(%dma_start3A_149 : memref<400xi32, #tpu.memory_space<vmem>>) semaphore(%dma_start3A_154 : memref<!tpu.dma_semaphore, #tpu.memory_space<semaphore_mem>>) {add = true}
    %dma_wait3A_155 = arith.constant 0 : i32
    %dma_wait3A_156 = arith.constant 0 : i32
    %dma_wait3A_157 = arith.constant 0 : i32
    %dma_wait3A_158 = arith.constant 0 : i32
    %dma_wait3A_159 = tpu.memref_slice %arg9[%dma_wait3A_155, %dma_wait3A_157, %dma_wait3A_158] : memref<2x400x16xf32, #tpu.memory_space<vmem>> -> memref<1x400x16xf32, #tpu.memory_space<vmem>>
    %dma_wait3A_160 = tpu.memref_squeeze %dma_wait3A_159 : memref<1x400x16xf32, #tpu.memory_space<vmem>> -> memref<400x16xf32, #tpu.memory_space<vmem>>
    %dma_wait3A_161 = arith.constant 9600 : i32
    %dma_wait3A_162 = tpu.memref_slice %arg8[%dma_wait3A_161] : memref<10000xi32, #tpu.memory_space<vmem>> -> memref<400xi32, #tpu.memory_space<vmem>>
    %dma_wait3A_163 = arith.constant 0 : i32
    %dma_wait3A_164 = arith.constant 0 : i32
    %dma_wait3A_165 = tpu.memref_slice %arg10[%dma_wait3A_163, %dma_wait3A_164] : memref<10000x16xf32, #tpu.memory_space<vmem_shared>> -> memref<10000x16xf32, #tpu.memory_space<vmem_shared>>
    %dma_wait3A_166 = tpu.memref_slice %arg12[%dma_wait3A_156] : memref<2x!tpu.dma_semaphore, #tpu.memory_space<semaphore_mem>> -> memref<1x!tpu.dma_semaphore, #tpu.memory_space<semaphore_mem>>
    %dma_wait3A_167 = tpu.memref_squeeze %dma_wait3A_166 : memref<1x!tpu.dma_semaphore, #tpu.memory_space<semaphore_mem>> -> memref<!tpu.dma_semaphore, #tpu.memory_space<semaphore_mem>>
    tpu.wait_indirect_dma semaphore(%dma_wait3A_167 : memref<!tpu.dma_semaphore, #tpu.memory_space<semaphore_mem>>) src(%dma_wait3A_160 : memref<400x16xf32, #tpu.memory_space<vmem>>) dst(%dma_wait3A_165 : memref<10000x16xf32, #tpu.memory_space<vmem_shared>>)
    %barrier3A_168 = arith.constant 0 : index
    tpu.barrier barrier_id(%barrier3A_168)
    %mul3A_169 = arith.constant 625 : i32
    %mul3A_170 = arith.muli %arg1, %mul3A_169 : i32
    %mul3A_171 = arith.constant 625 : i32
    %mul3A_172 = arith.muli %arg1, %mul3A_171 : i32
    "tpu.region"() ({
      %run_scoped3A = tpu.sem_alloc : memref<!tpu.dma_semaphore, #tpu.memory_space<semaphore_mem>>
      %dma_start3A_173 = arith.constant 0 : i32
      %dma_start3A_174 = tpu.memref_slice %arg6[%arg0, %mul3A_172, %dma_start3A_173] : memref<2x10000x16xf32, #tpu.memory_space<hbm>> -> memref<1x625x16xf32, #tpu.memory_space<hbm>>
      %dma_start3A_175 = tpu.memref_squeeze %dma_start3A_174 : memref<1x625x16xf32, #tpu.memory_space<hbm>> -> memref<625x16xf32, #tpu.memory_space<hbm>>
      %dma_start3A_176 = arith.constant 0 : i32
      %dma_start3A_177 = tpu.memref_slice %arg10[%mul3A_170, %dma_start3A_176] : memref<10000x16xf32, #tpu.memory_space<vmem_shared>> -> memref<625x16xf32, #tpu.memory_space<vmem_shared>>
      tpu.enqueue_dma source(%dma_start3A_177 : memref<625x16xf32, #tpu.memory_space<vmem_shared>>) target(%dma_start3A_175 : memref<625x16xf32, #tpu.memory_space<hbm>>) target_semaphore(%run_scoped3A : memref<!tpu.dma_semaphore, #tpu.memory_space<semaphore_mem>>)
      %dma_wait3A_178 = arith.constant 0 : i32
      %dma_wait3A_179 = tpu.memref_slice %arg6[%arg0, %mul3A_172, %dma_wait3A_178] : memref<2x10000x16xf32, #tpu.memory_space<hbm>> -> memref<1x625x16xf32, #tpu.memory_space<hbm>>
      %dma_wait3A_180 = tpu.memref_squeeze %dma_wait3A_179 : memref<1x625x16xf32, #tpu.memory_space<hbm>> -> memref<625x16xf32, #tpu.memory_space<hbm>>
      %dma_wait3A_181 = arith.constant 0 : i32
      %dma_wait3A_182 = tpu.memref_slice %arg10[%mul3A_170, %dma_wait3A_181] : memref<10000x16xf32, #tpu.memory_space<vmem_shared>> -> memref<625x16xf32, #tpu.memory_space<vmem_shared>>
      tpu.wait_dma2 semaphore(%run_scoped3A : memref<!tpu.dma_semaphore, #tpu.memory_space<semaphore_mem>>) src(%dma_wait3A_182 : memref<625x16xf32, #tpu.memory_space<vmem_shared>>) dst(%dma_wait3A_180 : memref<625x16xf32, #tpu.memory_space<hbm>>)
      tpu.yield
    }) : () -> ()
    return
  }
}

module attributes {stable_mosaic.version = 14 : i64} {
  func.func @_lin1_body(%arg0: i32, %arg1: memref<1000x128xf32, #tpu.memory_space<vmem>>, %arg2: memref<128x128xf32, #tpu.memory_space<vmem>>, %arg3: memref<2x1000x16xf32, #tpu.memory_space<vmem>>, %arg4: memref<1000x128xf32, #tpu.memory_space<vmem>>) attributes {dimension_semantics = [#tpu.dimension_semantics<arbitrary>], iteration_bounds = array<i64: 10>, scalar_prefetch = 0 : i64, scratch_operands = 0 : i64, tpu.core_type = #tpu.core_type<tc>, window_params = [{transform_indices = @transform_0, window_bounds = array<i64: 1000, 128>}, {pipeline_mode = #tpu.pipeline_mode<synchronous>, transform_indices = @transform_1, window_bounds = array<i64: 128, 128>}, {transform_indices = @transform_2, window_bounds = array<i64: 2, 1000, 16>}, {transform_indices = @transform_3, window_bounds = array<i64: 1000, 128>}]} {
    %get3A = arith.constant 0 : index
    %get3A_0 = arith.constant 0 : index
    %get3A_1 = vector.load %arg1[%get3A, %get3A_0] : memref<1000x128xf32, #tpu.memory_space<vmem>>, vector<1000x128xf32>
    %get3A_2 = arith.constant 0 : index
    %get3A_3 = arith.constant 0 : index
    %get3A_4 = vector.load %arg2[%get3A_2, %get3A_3] : memref<128x128xf32, #tpu.memory_space<vmem>>, vector<128x128xf32>
    %dot_general3A = arith.constant dense<0.000000e+00> : vector<1000x128xf32>
    %dot_general3A_5 = tpu.matmul %get3A_1, %get3A_4, %dot_general3A {dimension_numbers = #tpu.dot_dimension_numbers<[1], [0], [0], [1], [0, 0, 1, 1], [], []>, transpose_lhs_hint = false} : vector<1000x128xf32>, vector<128x128xf32>, vector<1000x128xf32> -> vector<1000x128xf32>
    %get3A_6 = arith.constant 0 : index
    %get3A_7 = arith.constant 0 : index
    %get3A_8 = arith.constant 0 : index
    %get3A_9 = vector.load %arg3[%get3A_6, %get3A_7, %get3A_8] : memref<2x1000x16xf32, #tpu.memory_space<vmem>>, vector<1x1000x1xf32>
    %get3A_10 = vector.shape_cast %get3A_9 : vector<1x1000x1xf32> to vector<1000x1xf32>
    %get3A_11 = arith.constant 1 : index
    %get3A_12 = arith.constant 0 : index
    %get3A_13 = arith.constant 0 : index
    %get3A_14 = vector.load %arg3[%get3A_11, %get3A_12, %get3A_13] : memref<2x1000x16xf32, #tpu.memory_space<vmem>>, vector<1x1000x1xf32>
    %get3A_15 = vector.shape_cast %get3A_14 : vector<1x1000x1xf32> to vector<1000x1xf32>
    %add3A = arith.addf %get3A_10, %get3A_15 : vector<1000x1xf32>
    %add3A_16 = arith.constant 1.000000e+00 : f32
    %add3A_17 = vector.broadcast %add3A_16 : f32 to vector<1000x1xf32>
    %add3A_18 = arith.addf %add3A, %add3A_17 : vector<1000x1xf32>
    %rsqrt3A = math.rsqrt %add3A_18 : vector<1000x1xf32>
    %mul3A = vector.broadcast %rsqrt3A : vector<1000x1xf32> to vector<1000x128xf32>
    %mul3A_19 = arith.mulf %dot_general3A_5, %mul3A : vector<1000x128xf32>
    %swap3A = arith.constant 0 : index
    %swap3A_20 = arith.constant 0 : index
    %swap3A_21 = vector.load %arg4[%swap3A, %swap3A_20] : memref<1000x128xf32, #tpu.memory_space<vmem>>, vector<1000x128xf32>
    tpu.vector_store %arg4[%swap3A, %swap3A_20], %mul3A_19 {strides = array<i32>} : memref<1000x128xf32, #tpu.memory_space<vmem>>, vector<1000x128xf32>,
    return
  }
  func.func @transform_0(%arg0: i32) -> (i32, i32) {
    %c0_i32 = arith.constant 0 : i32
    %c0_i32_0 = arith.constant 0 : i32
    return %arg0, %c0_i32 : i32, i32
  }
  func.func @transform_1(%arg0: i32) -> (i32, i32) {
    %c0_i32 = arith.constant 0 : i32
    %c0_i32_0 = arith.constant 0 : i32
    %c0_i32_1 = arith.constant 0 : i32
    return %c0_i32, %c0_i32_0 : i32, i32
  }
  func.func @transform_2(%arg0: i32) -> (i32, i32, i32) {
    %c0_i32 = arith.constant 0 : i32
    %c0_i32_0 = arith.constant 0 : i32
    %c0_i32_1 = arith.constant 0 : i32
    return %c0_i32, %arg0, %c0_i32_0 : i32, i32, i32
  }
  func.func @transform_3(%arg0: i32) -> (i32, i32) {
    %c0_i32 = arith.constant 0 : i32
    %c0_i32_0 = arith.constant 0 : i32
    return %arg0, %c0_i32 : i32, i32
  }
}

module attributes {stable_mosaic.version = 14 : i64} {
  func.func @_mid_body(%arg0: i32, %arg1: memref<1000x128xf32, #tpu.memory_space<vmem>>, %arg2: memref<2x1000x128xf32, #tpu.memory_space<vmem>>, %arg3: memref<2x1000x16xf32, #tpu.memory_space<vmem>>, %arg4: memref<1x128xf32, #tpu.memory_space<vmem>>, %arg5: memref<128x16xf32, #tpu.memory_space<vmem>>, %arg6: memref<1000x16xf32, #tpu.memory_space<vmem>>) attributes {dimension_semantics = [#tpu.dimension_semantics<arbitrary>], iteration_bounds = array<i64: 10>, scalar_prefetch = 0 : i64, scratch_operands = 0 : i64, tpu.core_type = #tpu.core_type<tc>, window_params = [{transform_indices = @transform_0, window_bounds = array<i64: 1000, 128>}, {transform_indices = @transform_1, window_bounds = array<i64: 2, 1000, 128>}, {transform_indices = @transform_2, window_bounds = array<i64: 2, 1000, 16>}, {pipeline_mode = #tpu.pipeline_mode<synchronous>, transform_indices = @transform_3, window_bounds = array<i64: 1, 128>}, {pipeline_mode = #tpu.pipeline_mode<synchronous>, transform_indices = @transform_4, window_bounds = array<i64: 128, 16>}, {transform_indices = @transform_5, window_bounds = array<i64: 1000, 16>}]} {
    %get3A = arith.constant 0 : index
    %get3A_0 = arith.constant 0 : index
    %get3A_1 = arith.constant 0 : index
    %get3A_2 = vector.load %arg3[%get3A, %get3A_0, %get3A_1] : memref<2x1000x16xf32, #tpu.memory_space<vmem>>, vector<1x1000x1xf32>
    %get3A_3 = vector.shape_cast %get3A_2 : vector<1x1000x1xf32> to vector<1000x1xf32>
    %get3A_4 = arith.constant 1 : index
    %get3A_5 = arith.constant 0 : index
    %get3A_6 = arith.constant 0 : index
    %get3A_7 = vector.load %arg3[%get3A_4, %get3A_5, %get3A_6] : memref<2x1000x16xf32, #tpu.memory_space<vmem>>, vector<1x1000x1xf32>
    %get3A_8 = vector.shape_cast %get3A_7 : vector<1x1000x1xf32> to vector<1000x1xf32>
    %add3A = arith.addf %get3A_3, %get3A_8 : vector<1000x1xf32>
    %add3A_9 = arith.constant 1.000000e+00 : f32
    %add3A_10 = vector.broadcast %add3A_9 : f32 to vector<1000x1xf32>
    %add3A_11 = arith.addf %add3A, %add3A_10 : vector<1000x1xf32>
    %rsqrt3A = math.rsqrt %add3A_11 : vector<1000x1xf32>
    %get3A_12 = arith.constant 0 : index
    %get3A_13 = arith.constant 0 : index
    %get3A_14 = vector.load %arg1[%get3A_12, %get3A_13] : memref<1000x128xf32, #tpu.memory_space<vmem>>, vector<1000x128xf32>
    %get3A_15 = arith.constant 0 : index
    %get3A_16 = arith.constant 0 : index
    %get3A_17 = arith.constant 0 : index
    %get3A_18 = vector.load %arg2[%get3A_15, %get3A_16, %get3A_17] : memref<2x1000x128xf32, #tpu.memory_space<vmem>>, vector<1x1000x128xf32>
    %get3A_19 = vector.shape_cast %get3A_18 : vector<1x1000x128xf32> to vector<1000x128xf32>
    %add3A_20 = arith.addf %get3A_14, %get3A_19 : vector<1000x128xf32>
    %get3A_21 = arith.constant 1 : index
    %get3A_22 = arith.constant 0 : index
    %get3A_23 = arith.constant 0 : index
    %get3A_24 = vector.load %arg2[%get3A_21, %get3A_22, %get3A_23] : memref<2x1000x128xf32, #tpu.memory_space<vmem>>, vector<1x1000x128xf32>
    %get3A_25 = vector.shape_cast %get3A_24 : vector<1x1000x128xf32> to vector<1000x128xf32>
    %add3A_26 = arith.addf %add3A_20, %get3A_25 : vector<1000x128xf32>
    %mul3A = vector.broadcast %rsqrt3A : vector<1000x1xf32> to vector<1000x128xf32>
    %mul3A_27 = arith.mulf %add3A_26, %mul3A : vector<1000x128xf32>
    %get3A_28 = arith.constant 0 : index
    %get3A_29 = arith.constant 0 : index
    %get3A_30 = vector.load %arg4[%get3A_28, %get3A_29] : memref<1x128xf32, #tpu.memory_space<vmem>>, vector<1x128xf32>
    %add3A_31 = vector.broadcast %get3A_30 : vector<1x128xf32> to vector<1000x128xf32>
    %add3A_32 = arith.addf %mul3A_27, %add3A_31 : vector<1000x128xf32>
    %max3A = arith.constant 0.000000e+00 : f32
    %max3A_33 = vector.broadcast %max3A : f32 to vector<1000x128xf32>
    %max3A_34 = arith.maximumf %add3A_32, %max3A_33 : vector<1000x128xf32>
    %get3A_35 = arith.constant 0 : index
    %get3A_36 = arith.constant 0 : index
    %get3A_37 = vector.load %arg5[%get3A_35, %get3A_36] : memref<128x16xf32, #tpu.memory_space<vmem>>, vector<128x16xf32>
    %dot_general3A = arith.constant dense<0.000000e+00> : vector<1000x16xf32>
    %dot_general3A_38 = tpu.matmul %max3A_34, %get3A_37, %dot_general3A {dimension_numbers = #tpu.dot_dimension_numbers<[1], [0], [0], [1], [0, 0, 1, 1], [], []>, transpose_lhs_hint = false} : vector<1000x128xf32>, vector<128x16xf32>, vector<1000x16xf32> -> vector<1000x16xf32>
    %mul3A_39 = vector.broadcast %rsqrt3A : vector<1000x1xf32> to vector<1000x16xf32>
    %mul3A_40 = arith.mulf %dot_general3A_38, %mul3A_39 : vector<1000x16xf32>
    %swap3A = arith.constant 0 : index
    %swap3A_41 = arith.constant 0 : index
    %swap3A_42 = vector.load %arg6[%swap3A, %swap3A_41] : memref<1000x16xf32, #tpu.memory_space<vmem>>, vector<1000x16xf32>
    tpu.vector_store %arg6[%swap3A, %swap3A_41], %mul3A_40 {strides = array<i32>} : memref<1000x16xf32, #tpu.memory_space<vmem>>, vector<1000x16xf32>,
    return
  }
  func.func @transform_0(%arg0: i32) -> (i32, i32) {
    %c0_i32 = arith.constant 0 : i32
    %c0_i32_0 = arith.constant 0 : i32
    return %arg0, %c0_i32 : i32, i32
  }
  func.func @transform_1(%arg0: i32) -> (i32, i32, i32) {
    %c0_i32 = arith.constant 0 : i32
    %c0_i32_0 = arith.constant 0 : i32
    %c0_i32_1 = arith.constant 0 : i32
    return %c0_i32, %arg0, %c0_i32_0 : i32, i32, i32
  }
  func.func @transform_2(%arg0: i32) -> (i32, i32, i32) {
    %c0_i32 = arith.constant 0 : i32
    %c0_i32_0 = arith.constant 0 : i32
    %c0_i32_1 = arith.constant 0 : i32
    return %c0_i32, %arg0, %c0_i32_0 : i32, i32, i32
  }
  func.func @transform_3(%arg0: i32) -> (i32, i32) {
    %c0_i32 = arith.constant 0 : i32
    %c0_i32_0 = arith.constant 0 : i32
    %c0_i32_1 = arith.constant 0 : i32
    return %c0_i32, %c0_i32_0 : i32, i32
  }
  func.func @transform_4(%arg0: i32) -> (i32, i32) {
    %c0_i32 = arith.constant 0 : i32
    %c0_i32_0 = arith.constant 0 : i32
    %c0_i32_1 = arith.constant 0 : i32
    return %c0_i32, %c0_i32_0 : i32, i32
  }
  func.func @transform_5(%arg0: i32) -> (i32, i32) {
    %c0_i32 = arith.constant 0 : i32
    %c0_i32_0 = arith.constant 0 : i32
    return %arg0, %c0_i32 : i32, i32
  }
}

module attributes {stable_mosaic.version = 14 : i64} {
  func.func @_final_body(%arg0: i32, %arg1: memref<1000x16xf32, #tpu.memory_space<vmem>>, %arg2: memref<2x1000x16xf32, #tpu.memory_space<vmem>>, %arg3: memref<2x1000x16xf32, #tpu.memory_space<vmem>>, %arg4: memref<1x16xf32, #tpu.memory_space<vmem>>, %arg5: memref<1000x16xf32, #tpu.memory_space<vmem>>) attributes {dimension_semantics = [#tpu.dimension_semantics<arbitrary>], iteration_bounds = array<i64: 10>, scalar_prefetch = 0 : i64, scratch_operands = 0 : i64, tpu.core_type = #tpu.core_type<tc>, window_params = [{transform_indices = @transform_0, window_bounds = array<i64: 1000, 16>}, {transform_indices = @transform_1, window_bounds = array<i64: 2, 1000, 16>}, {transform_indices = @transform_2, window_bounds = array<i64: 2, 1000, 16>}, {pipeline_mode = #tpu.pipeline_mode<synchronous>, transform_indices = @transform_3, window_bounds = array<i64: 1, 16>}, {transform_indices = @transform_4, window_bounds = array<i64: 1000, 16>}]} {
    %get3A = arith.constant 0 : index
    %get3A_0 = arith.constant 0 : index
    %get3A_1 = arith.constant 0 : index
    %get3A_2 = vector.load %arg3[%get3A, %get3A_0, %get3A_1] : memref<2x1000x16xf32, #tpu.memory_space<vmem>>, vector<1x1000x1xf32>
    %get3A_3 = vector.shape_cast %get3A_2 : vector<1x1000x1xf32> to vector<1000x1xf32>
    %get3A_4 = arith.constant 1 : index
    %get3A_5 = arith.constant 0 : index
    %get3A_6 = arith.constant 0 : index
    %get3A_7 = vector.load %arg3[%get3A_4, %get3A_5, %get3A_6] : memref<2x1000x16xf32, #tpu.memory_space<vmem>>, vector<1x1000x1xf32>
    %get3A_8 = vector.shape_cast %get3A_7 : vector<1x1000x1xf32> to vector<1000x1xf32>
    %add3A = arith.addf %get3A_3, %get3A_8 : vector<1000x1xf32>
    %add3A_9 = arith.constant 1.000000e+00 : f32
    %add3A_10 = vector.broadcast %add3A_9 : f32 to vector<1000x1xf32>
    %add3A_11 = arith.addf %add3A, %add3A_10 : vector<1000x1xf32>
    %rsqrt3A = math.rsqrt %add3A_11 : vector<1000x1xf32>
    %get3A_12 = arith.constant 0 : index
    %get3A_13 = arith.constant 0 : index
    %get3A_14 = vector.load %arg1[%get3A_12, %get3A_13] : memref<1000x16xf32, #tpu.memory_space<vmem>>, vector<1000x16xf32>
    %get3A_15 = arith.constant 0 : index
    %get3A_16 = arith.constant 0 : index
    %get3A_17 = arith.constant 0 : index
    %get3A_18 = vector.load %arg2[%get3A_15, %get3A_16, %get3A_17] : memref<2x1000x16xf32, #tpu.memory_space<vmem>>, vector<1x1000x16xf32>
    %get3A_19 = vector.shape_cast %get3A_18 : vector<1x1000x16xf32> to vector<1000x16xf32>
    %add3A_20 = arith.addf %get3A_14, %get3A_19 : vector<1000x16xf32>
    %get3A_21 = arith.constant 1 : index
    %get3A_22 = arith.constant 0 : index
    %get3A_23 = arith.constant 0 : index
    %get3A_24 = vector.load %arg2[%get3A_21, %get3A_22, %get3A_23] : memref<2x1000x16xf32, #tpu.memory_space<vmem>>, vector<1x1000x16xf32>
    %get3A_25 = vector.shape_cast %get3A_24 : vector<1x1000x16xf32> to vector<1000x16xf32>
    %add3A_26 = arith.addf %add3A_20, %get3A_25 : vector<1000x16xf32>
    %mul3A = vector.broadcast %rsqrt3A : vector<1000x1xf32> to vector<1000x16xf32>
    %mul3A_27 = arith.mulf %add3A_26, %mul3A : vector<1000x16xf32>
    %get3A_28 = arith.constant 0 : index
    %get3A_29 = arith.constant 0 : index
    %get3A_30 = vector.load %arg4[%get3A_28, %get3A_29] : memref<1x16xf32, #tpu.memory_space<vmem>>, vector<1x16xf32>
    %add3A_31 = vector.broadcast %get3A_30 : vector<1x16xf32> to vector<1000x16xf32>
    %add3A_32 = arith.addf %mul3A_27, %add3A_31 : vector<1000x16xf32>
    %swap3A = arith.constant 0 : index
    %swap3A_33 = arith.constant 0 : index
    %swap3A_34 = vector.load %arg5[%swap3A, %swap3A_33] : memref<1000x16xf32, #tpu.memory_space<vmem>>, vector<1000x16xf32>
    tpu.vector_store %arg5[%swap3A, %swap3A_33], %add3A_32 {strides = array<i32>} : memref<1000x16xf32, #tpu.memory_space<vmem>>, vector<1000x16xf32>,
    return
  }
  func.func @transform_0(%arg0: i32) -> (i32, i32) {
    %c0_i32 = arith.constant 0 : i32
    %c0_i32_0 = arith.constant 0 : i32
    return %arg0, %c0_i32 : i32, i32
  }
  func.func @transform_1(%arg0: i32) -> (i32, i32, i32) {
    %c0_i32 = arith.constant 0 : i32
    %c0_i32_0 = arith.constant 0 : i32
    %c0_i32_1 = arith.constant 0 : i32
    return %c0_i32, %arg0, %c0_i32_0 : i32, i32, i32
  }
  func.func @transform_2(%arg0: i32) -> (i32, i32, i32) {
    %c0_i32 = arith.constant 0 : i32
    %c0_i32_0 = arith.constant 0 : i32
    %c0_i32_1 = arith.constant 0 : i32
    return %c0_i32, %arg0, %c0_i32_0 : i32, i32, i32
  }
  func.func @transform_3(%arg0: i32) -> (i32, i32) {
    %c0_i32 = arith.constant 0 : i32
    %c0_i32_0 = arith.constant 0 : i32
    %c0_i32_1 = arith.constant 0 : i32
    return %c0_i32, %c0_i32_0 : i32, i32
  }
  func.func @transform_4(%arg0: i32) -> (i32, i32) {
    %c0_i32 = arith.constant 0 : i32
    %c0_i32_0 = arith.constant 0 : i32
    return %arg0, %c0_i32 : i32, i32
  }
}

</mosaic_0001>

<sc_bundles>
// kernel: kernel.11.cloned.1.call-start
scs
__scs_entry_jumppad:
0x0: {  	(pc) =	sbr.rel $0x88, $3  }
0x1: {  	(tag) =	ssettag $0x0;
	lr =	simm.s32 $0x1  }
0x2: {  	[smem:$0x3F9B] =	sst lr;
	_ =	strace $0xD0000000  }
0x3: {  	_ = 	snop  }
0x4: {  	_ = 	snop  }
0x5: {  	_ = 	snop  }
0x6: {  	_ = 	snop  }
0x7: {  	_ = 	snop  }
__scs_overlays_trampoline_lowered:
0x8: {  	[smem:$0x3FAA] =	sst s0  }
0x9: {  	[smem:$0x3FAB] =	sst s1  }
0xa: {  	[smem:$0x3FAC] =	sst s2  }
0xb: {  	[smem:$0x3FAD] =	sst s3  }
0xc: {  	[smem:$0x3FAE] =	sst s4  }
0xd: {  	[smem:$0x3FAF] =	sst s5  }
0xe: {  	[smem:$0x3FB0] =	sst s6  }
0xf: {  	[smem:$0x3FB1] =	sst s7  }
0x10: {  	[smem:$0x3FB2] =	sst s8  }
0x11: {  	[smem:$0x3FB3] =	sst s9;
	s0 =	simm.s32 @!p0 $0x0  }
0x12: {  	s1 =	sld [smem:$0x3F99];
	s0 =	simm.s32 @p0 $0x1  }
0x13: {  	[smem:$0x3FB4] =	sst s0;
	s0 =	simm.s32 @!p1 $0x0  }
0x14: {  	s2 =	sld [smem:$0x3F98];
	s0 =	simm.s32 @p1 $0x1  }
0x15: {  	[smem:$0x3FB5] =	sst s0;
	s0 =	simm.s32 @!p2 $0x0  }
0x16: {  	s3 =	sld [smem:$0x3FDB];
	s0 =	simm.s32 @p2 $0x1  }
0x17: {  	s4 =	simm.s32 $0x1BF5;
	[smem:$0x3FB7] =	sst s0  }
0x18: {  	s0 =	sld [smem:$0x3F9A];
	_ =	swait.ge [sflag:s4], $0x0  }
0x19: {  	s7 =	sld [smem:$0x3F9B]  }
0x1a: {  	s8 =	sadd.s32 $0xFFFFE003, lr  }
0x1b: {  	s9 =	sadd.s32 $0xFFFFFEF7, lr;
	s5 =	simm.s32 $0xFFFFFFFF;
	p2 =	slt.u32 s8, $0xFFFFF086  }
0x1c: {  	p1 =	slt.u32 s9, $0xF7A;
	s5 =	simm.s32 @!p2 $0x0  }
0x1d: {  	s5 =	simm.s32 @p1 $0x1;
	p0 =	seq.s32 s7, s2  }
0x1e: {  	s7 =	smul.u32 @!p0 $0xF7A, s2;
	p2 =	seq.s32 @!p0 s5, $0x0  }
0x1f: {  	s9 =	smul.u32 $0xF7A, s1;
	s8 =	simm.s32 @!p0 $0x1BF5;
	p2 =	por !p2, p0  }
0x20: {  	[sflag:s8] =	ssyncset.s32 @!p0 $0xFFFFF086;
	s6 =	sadd.s32 @!p0 s3, s7;
	s7 =	simm.s32 @!p0 $0x108  }
0x21: {  	s3 =	sadd.s32 s3, s9;
	s6 =	sadd.s32 @!p0 $0x88, s6;
	s7 =	simm.s32 @p2 $0x1082  }
0x22: {  	[simem:s7], [sflag:s8] =	dma.local @!p0 [hbm:s6], $0xF7A  }
0x23: {  	s9 =	sor.u32 $0xD0000000, s2;
	s6 =	simm.s32 $0x108;
	_ =	swait.ge @!p0 [sflag:s8], $0x0  }
0x24: {  	s3 =	sadd.s32 $0x88, s3;
	s6 =	simm.s32 @!p1 $0x1082;
	[sflag:s4] =	ssyncset.s32 $0xFFFFF086  }
0x25: {  	[simem:s6], [sflag:s4] =	dma.local [hbm:s3], $0xF7A  }
0x26: {  	[smem:$0x3F9B] =	sst s1;
	(tag) =	ssettag s2;
	_ =	strace s9  }
0x27: {  	s1 =	sld [smem:$0x3FAB]  }
0x28: {  	s2 =	sld [smem:$0x3FAC]  }
0x29: {  	s4 =	sld [smem:$0x3FAE]  }
0x2a: {  	p0 =	seq.s32 s5, $0x0;
	s5 =	sld [smem:$0x3FAF]  }
0x2b: {  	s6 =	sld [smem:$0x3FB0]  }
0x2c: {  	s7 =	sld [smem:$0x3FB1]  }
0x2d: {  	s3 =	simm.s32 $0x108;
	s8 =	sld [smem:$0x3FB2]  }
0x2e: {  	s3 =	simm.s32 @!p0 $0x1082;
	s9 =	sld [smem:$0x3FB3]  }
0x2f: {  	lr =	sadd.s32 s0, s3;
	s0 =	sld [smem:$0x3FAA]  }
0x30: {  	s3 =	sld [smem:$0x3FAD]  }
0x31: {  	[smem:$0x3FB6] =	sst s10  }
0x32: {  	s10 =	sld [smem:$0x3FB4];
	_ =	sdelay $0x3  }
0x33: {  	p0 =	seq.s32 s10, $0x1;
	s10 =	sld [smem:$0x3FB6];
	_ =	sdelay $0x3  }
0x34: {  	[smem:$0x3FB6] =	sst s10  }
0x35: {  	s10 =	sld [smem:$0x3FB5];
	_ =	sdelay $0x3  }
0x36: {  	p1 =	seq.s32 s10, $0x1;
	s10 =	sld [smem:$0x3FB6];
	_ =	sdelay $0x3  }
0x37: {  	[smem:$0x3FB6] =	sst s10  }
0x38: {  	s10 =	sld [smem:$0x3FB7]  }
0x39: {  	_ = 	snop;
	(pc) =	sbr.ind lr, $3  }
0x3a: {  	_ = 	snop  }
0x3b: {  	_ = 	snop  }
0x3c: {  	p2 =	seq.s32 s10, $0x1;
	s10 =	sld [smem:$0x3FB6]  }
0x3d: {  	_ =	shalt  }
0x3e: {  	_ =	shalt  }
0x3f: {  	_ =	shalt  }
0x40: {  	_ =	shalt  }
0x41: {  	_ =	shalt  }
0x42: {  	_ =	shalt  }
0x43: {  	_ =	shalt  }
0x44: {  	_ =	shalt  }
0x45: {  	_ =	shalt  }
0x46: {  	_ =	shalt  }
0x47: {  	_ =	shalt  }
0x48: {  	_ =	shalt  }
0x49: {  	_ =	shalt  }
0x4a: {  	_ =	shalt  }
0x4b: {  	_ =	shalt  }
0x4c: {  	_ =	shalt  }
0x4d: {  	_ =	shalt  }
0x4e: {  	_ =	shalt  }
0x4f: {  	_ =	shalt  }
0x50: {  	_ =	shalt  }
0x51: {  	_ =	shalt  }
0x52: {  	_ =	shalt  }
0x53: {  	_ =	shalt  }
0x54: {  	_ =	shalt  }
0x55: {  	_ =	shalt  }
0x56: {  	_ =	shalt  }
0x57: {  	_ =	shalt  }
0x58: {  	_ =	shalt  }
0x59: {  	_ =	shalt  }
0x5a: {  	_ =	shalt  }
0x5b: {  	_ =	shalt  }
0x5c: {  	_ =	shalt  }
0x5d: {  	_ =	shalt  }
0x5e: {  	_ =	shalt  }
0x5f: {  	_ =	shalt  }
0x60: {  	_ =	shalt  }
0x61: {  	_ =	shalt  }
0x62: {  	_ =	shalt  }
0x63: {  	_ =	shalt  }
0x64: {  	_ =	shalt  }
0x65: {  	_ =	shalt  }
0x66: {  	_ =	shalt  }
0x67: {  	_ =	shalt  }
0x68: {  	_ =	shalt  }
0x69: {  	_ =	shalt  }
0x6a: {  	_ =	shalt  }
0x6b: {  	_ =	shalt  }
0x6c: {  	_ =	shalt  }
0x6d: {  	_ =	shalt  }
0x6e: {  	_ =	shalt  }
0x6f: {  	_ =	shalt  }
0x70: {  	_ =	shalt  }
0x71: {  	_ =	shalt  }
0x72: {  	_ =	shalt  }
0x73: {  	_ =	shalt  }
0x74: {  	_ =	shalt  }
0x75: {  	_ =	shalt  }
0x76: {  	_ =	shalt  }
0x77: {  	_ =	shalt  }
0x78: {  	_ =	shalt  }
0x79: {  	_ =	shalt  }
0x7a: {  	_ =	shalt  }
0x7b: {  	_ =	shalt  }
0x7c: {  	_ =	shalt  }
0x7d: {  	_ =	shalt  }
0x7e: {  	_ =	shalt  }
0x7f: {  	_ =	shalt  }
0x80: {  	_ =	shalt  }
0x81: {  	_ =	shalt  }
0x82: {  	_ =	shalt  }
0x83: {  	_ =	shalt  }
0x84: {  	_ =	shalt  }
0x85: {  	_ =	shalt  }
0x86: {  	_ =	shalt  }
0x87: {  	_ =	shalt  }
.Lfunc_end0:
.L_simem_size_0:
called_computation.1_lowered:
.L_overlay_start_0:
0x88: {  	s2 =	sld [smem:$0x3FD9]  }
0x89: {  	s3 =	sld [smem:$0x3FFE];
	_ =	sdelay $0x1  }
0x8a: {  	s1 =	srdreg.scid  }
0x8b: {  	s0 =	sand.u32 $0x1, s1  }
0x8c: {  	s16 =	sshll.u32 s0, $0xA;
	s2 =	sadd.s32 s3, s2  }
0x8d: {  	s2 =	sadd.s32 s2, s16  }
0x8e: {  	[smem:$0x3FC2] =	sst s2  }
0x8f: {  	_ = 	snop  }
0x90: {  	(tm) =	ssettm $0x1  }
0x91: {  	s17 =	sld [smem:$0x3FFB];
	_ =	sdelay $0x3  }
0x92: {  	_ =	strace s17  }
0x93: {  	s2 =	sld [smem:$0x3FFC];
	_ =	sdelay $0x3  }
0x94: {  	_ =	strace s2  }
0x95: {  	s2 =	sld [smem:$0x3FFD];
	_ =	sdelay $0x3  }
0x96: {  	_ =	strace s2  }
0x97: {  	_ =	strace $0x8FFFFFFF  }
0x98: {  	s18 =	sld [smem:$0x3FDB];
	_ =	sdelay $0x1  }
0x99: {  	s19 =	simm.s32 $_scs_section_size  }
0x9a: {  	s4 =	simm.s32 $_size__tile_overlayer_lowered;
	s5 =	simm.s32 $_tile_overlayer_lowered  }
0x9b: {  	s22 =	simm.s32 $0x1BFF;
	s21 =	sshll.u32 s5, $0x1;
	s2 =	sadd.s32 s19, s18  }
0x9c: {  	s6 =	simm.s32 $0x0;
	s20 =	sshll.u32 s4, $0x1;
	s4 =	sadd.s32 s21, s2  }
0x9d: {  	[timem:s6], [sflag:s22] =	dma.local [hbm:s4], s20  }
0x9e: {  	_ =	swait.ge [sflag:s22], s20  }
0x9f: {  	s3 =	ssub.s32 $0x0, s20;
	[sflag:s22] =	ssyncset.done $0x0  }
0xa0: {  	[sflag:s22] =	ssyncadd.s32 s3;
	_ =	sdelay $0x1  }
0xa1: {  	s23 =	simm.s32 $0x1B8B  }
0xa2: {  	_ =	swait.ge [sflag:s23], $0x1  }
0xa3: {  	[sflag:s23] =	ssyncset.done $0x0  }
0xa4: {  	s25 =	simm.s32 $0x1B8E;
	s24 =	sld [smem:$0x3FFE];
	[sflag:s23] =	ssyncadd.s32 $0xFFFFFFFF  }
0xa5: {  	s26 =	simm.s32 $execute0_lowered;
	[smem:$0x3FD2] =	sst s25  }
0xa6: {  	s4 =	sshll.u32 s26, $0x1;
	_ =	strace $0x80000049;
	[dreg:$0x1] =	wrdreg $0xFFFFFFFF  }
0xa7: {  	s28 =	simm.s32 $_size_execute0_lowered;
	s2 =	sadd.s32 s2, s4;
	[dreg:$0x0] =	wrdreg $0x0  }
0xa8: {  	s4 =	sshll.u32 s28, $0x1;
	[dreg:$0x2] =	wrdreg s2  }
0xa9: {  	[dreg:$0x3] =	wrdreg s4  }
0xaa: {  	[dreg:$0x4] =	wrdreg $0xC0  }
0xab: {  	_ =	task [dreg:s6], $0x5FFFF  }
0xac: {  	[dreg:$0x1] =	wrdreg $0xFFFFFFFF  }
0xad: {  	[dreg:$0x0] =	wrdreg $0x60  }
0xae: {  	[dreg:$0x2] =	wrdreg s24  }
0xaf: {  	[dreg:$0x3] =	wrdreg $0x9E200  }
0xb0: {  	[dreg:$0x4] =	wrdreg $0x9  }
0xb1: {  	_ =	task.clear_ibuf [dreg:s6], $0x5FFFF;
	_ =	strace $0x90000049  }
0xb2: {  	s29 =	simm.s32 $0x9;
	_ =	strace $0x8000004B  }
0xb3: {  	_ =	swait.ge [sflag:s29], $0x1  }
0xb4: {  	[sflag:s29] =	ssyncadd.s32 $0xFFFFFFFF  }
0xb5: {  	_ =	strace $0x9000004B  }
0xb6: {  	_ =	sfence  }
0xb7: {  	s30 =	sld [smem:$0x0];
	_ =	sdelay $0x2  }
0xb8: {  	s31 =	sshll.u32 s1, $0xD;
	s1 =	sshrl.u32 s1, $0x2  }
0xb9: {  	s3 =	sand.u32 $0x4000, s31;
	s1 =	sadd.s32 s1, s30  }
0xba: {  	s0 =	sor.u32 s3, s0;
	s1 =	sshll.u32 s1, $0x11  }
0xbb: {  	s0 =	sor.u32 s1, s0  }
0xbc: {  	s0 =	sadd.s32 $0x8F2B, s0  }
0xbd: {  	[sflag:s0] =	ssyncadd.remote.s32 $0x1  }
0xbe: {  	_ =	sfence.sel $0xFFFF  }
0xbf: {  	[dreg:$0x0] =	wrdreg $0xFFFFFFFF;
	(pc) =	sbr.abs _section_cstart, $3  }
0xc0: {  	[dreg:$0x1] =	wrdreg $0xFFFFFFFF  }
0xc1: {  	_ =	task.clear_ibuf [dreg:s6], $0x2FFFF;
	_ =	strace $0x9FFFFFFF  }
0xc2: {  	(tm) =	ssettm $0x7FFFFFFF  }
0xc3: {  	_ =	shalt  }
tec
execute0_lowered:
.L_overlay_start_1:
0x0: {  	(tag) =	ssettag $0x1  }
0x1: {  	s1 =	srdreg.scid;
	s6 =	rddreg [dreg:$0x0]  }
0x2: {  	s0 =	stileid.u32;
	s2 =	rddreg [dreg:$0x1];
	s3 =	simm.s32 $0x0  }
0x3: {  	s14 =	simm.s32 $0x50;
	s15 =	simm.s32 $0x4E20;
	s16 =	simm.s32 $0x7620  }
0x4: {  	s17 =	simm.s32 $0x1;
	s18 =	simm.s32 $0x3;
	s19 =	simm.s32 $0x2  }
0x5: {  	s20 =	simm.s32 $0x4;
	s21 =	simm.s32 $0x4D30;
	s22 =	simm.s32 $0x26C0  }
0x6: {  	s23 =	simm.s32 $0x4D80;
	s24 =	simm.s32 $0x4DD0;
	s25 =	simm.s32 $0x0  }
0x7: {  	s5 =	sand.u32 $0x1, s1;
	s30 =	sshll.u32 s0, $0x1;
	s7 =	smul.u32 $0x13880, s0  }
0x8: {  	[smem:$0x7FF] =	sst s3;
	s12 =	sshll.u32 s0, $0x6;
	s1 =	sor.u32 s5, s30  }
0x9: {  	s8 =	smul.u32 $0x138800, s5;
	s5 =	ssub.s32 $0x2, s5;
	s12 =	sor.u32 $0x1C05, s12  }
0xa: {  	s4 =	smul.u32 $0x4E2, s1;
	s1 =	rddreg [dreg:$0x2];
	_ =	strace $0x8000004A  }
0xb: {  	s10 =	sshrl.u32 s7, $0x3;
	s31 =	sshrl.u32 s5, $0x1;
	s13 =	sadd.s32 s7, s2  }
0xc: {  	s8 =	sadd.s32 s7, s8;
	s10 =	sadd.s32 s10, s6;
	s11 =	ssub.s32 s5, s31  }
0xd: {  	s13 =	sshrl.u32 s13, $0x3;
	s9 =	sadd.s32 s4, s6;
	s4 =	sadd.s32 $0x64000, s6  }
0xe: {  	s8 =	sshrl.u32 s8, $0x3;
	s7 =	sadd.s32 $0x8B200, s10;
	s10 =	simm.s32 $0x5  }
0xf: {  	s8 =	sadd.s32 s8, s6;
	s5 =	sadd.s32 $0x2200, s9;
	s6 =	sadd.s32 $0xC000, s9  }
0x10: {  	s9 =	smax.u32 s11, $0x1;
	s11 =	simm.s32 $0x2710;
	s8 =	sadd.s32 $0xB2400, s8  }
.LBB2_1:
0x11: {  	[tilespmem:s3], [sflag:$0x5] =	stream.linear.gather [hbm4b:s5+s3], $0x2710, $0x38;
	[tilespmem:$0x1D6A0] =	vst v63  }
0x12: {  	_ =	swait.ge [sflag:s10], $0x2710  }
0x13: {  	[sflag:s10] =	ssyncset.done $0x0  }
0x14: {  	[sflag:s10] =	ssyncadd.s32 $0xFFFFD8F0  }
0x15: {  	[tilespmem:s11], [sflag:$0x5] =	stream.linear.gather [hbm4b:s6+s3], $0x2710, $0x38;
	[tilespmem:$0x1D6A0] =	vst v63  }
0x16: {  	_ =	swait.ge [sflag:s10], $0x2710  }
0x17: {  	[sflag:s10] =	ssyncset.done $0x0  }
0x18: {  	[sflag:s10] =	ssyncadd.s32 $0xFFFFD8F0  }
0x19: {  	[spmem:s13], [sflag:s12] =	dma.local [hbm:s7], $0x2710  }
0x1a: {  	_ =	swait.ge [sflag:s10], $0x2710  }
0x1b: {  	[sflag:s10] =	ssyncset.done $0x0  }
0x1c: {  	[sflag:s10] =	ssyncadd.s32 $0xFFFFD8F0  }
0x1d: {  	[bflag:$0x0] =	sbarrier.arrive $0xFFFF  }
0x1e: {  	[tilespmem:s15], [sflag:$0x1] =	stream.indirect.gather [hbm4b:s4+s14], $0x80, s3, s14, $0xb8;
	[tilespmem:$0x1D6A0] =	vst v63  }
0x1f: {  	_ = 	snop  }
0x20: {  	[tilespmem:s16], [sflag:$0x2] =	stream.indirect.gather [hbm4b:s4+s14], $0x80, s14, s14, $0xb8;
	[tilespmem:$0x1D6A0] =	vst v63  }
0x21: {  	_ =	swait.ge [sflag:s17], $0x2800  }
0x22: {  	[sflag:s17] =	ssyncset.done $0x0  }
0x23: {  	s26 =	simm.s32 $0x2710;
	[sflag:s17] =	ssyncadd.s32 $0xFFFFD800  }
0x24: {  	[spmem:s2] =	stream.indirect.scatter.add.f32 [tilespmem:s15], [sflag:$0x3], $0x80, s26, s14, $0xb8;
	[tilespmem:$0x1D6A0] =	vst v63  }
0x25: {  	_ =	swait.ge [sflag:s18], $0x2800  }
0x26: {  	[sflag:s18] =	ssyncset.done $0x0  }
0x27: {  	s30 =	simm.s32 $0xA0;
	[sflag:s18] =	ssyncadd.s32 $0xFFFFD800  }
0x28: {  	[tilespmem:s15], [sflag:$0x1] =	stream.indirect.gather [hbm4b:s4+s14], $0x80, s30, s14, $0xb8;
	[tilespmem:$0x1D6A0] =	vst v63  }
0x29: {  	_ =	swait.ge [sflag:s19], $0x2800  }
0x2a: {  	[sflag:s19] =	ssyncset.done $0x0  }
0x2b: {  	s31 =	simm.s32 $0x2760;
	[sflag:s19] =	ssyncadd.s32 $0xFFFFD800  }
0x2c: {  	[spmem:s2] =	stream.indirect.scatter.add.f32 [tilespmem:s16], [sflag:$0x4], $0x80, s31, s14, $0xb8;
	[tilespmem:$0x1D6A0] =	vst v63  }
0x2d: {  	_ =	swait.ge [sflag:s20], $0x2800  }
0x2e: {  	[sflag:s20] =	ssyncset.done $0x0  }
0x2f: {  	s28 =	simm.s32 $0xF0;
	s26 =	simm.s32 $0x280;
	[sflag:s20] =	ssyncadd.s32 $0xFFFFD800  }
.LBB2_2:
0x30: {  	[tilespmem:s16], [sflag:$0x2] =	stream.indirect.gather [hbm4b:s4+s14], $0x80, s28, s14, $0xb8;
	[tilespmem:$0x1D6A0] =	vst v63  }
0x31: {  	s28 =	smov.u32 s26  }
0x32: {  	p0 =	sne.s32 s26, $0x9600;
	s26 =	sadd.s32 $0x280, s26;
	_ =	swait.ge [sflag:s17], $0x2800  }
0x33: {  	s28 =	sshra.s32 s28, $0x2;
	[sflag:s17] =	ssyncset.done $0x0  }
0x34: {  	s29 =	sadd.s32 $0x2710, s28;
	[sflag:s17] =	ssyncadd.s32 $0xFFFFD800  }
0x35: {  	[spmem:s2] =	stream.indirect.scatter.add.f32 [tilespmem:s15], [sflag:$0x3], $0x80, s29, s14, $0xb8;
	[tilespmem:$0x1D6A0] =	vst v63  }
0x36: {  	_ =	swait.ge [sflag:s18], $0x2800  }
0x37: {  	[sflag:s18] =	ssyncset.done $0x0  }
0x38: {  	s29 =	sadd.s32 $0xA0, s28;
	[sflag:s18] =	ssyncadd.s32 $0xFFFFD800  }
0x39: {  	[tilespmem:s15], [sflag:$0x1] =	stream.indirect.gather [hbm4b:s4+s14], $0x80, s29, s14, $0xb8;
	[tilespmem:$0x1D6A0] =	vst v63  }
0x3a: {  	_ =	swait.ge [sflag:s19], $0x2800  }
0x3b: {  	[sflag:s19] =	ssyncset.done $0x0  }
.Ltmp0:
0x3c: {  	s29 =	sadd.s32 $0x2760, s28;
	[sflag:s19] =	ssyncadd.s32 $0xFFFFD800;
	(pc) =	sbr.rel @p0 .LBB2_2-.Ltmp0, $4  }
0x3d: {  	[spmem:s2] =	stream.indirect.scatter.add.f32 [tilespmem:s16], [sflag:$0x4], $0x80, s29, s14, $0xb8;
	[tilespmem:$0x1D6A0] =	vst v63  }
0x3e: {  	_ =	swait.ge [sflag:s20], $0x2800  }
0x3f: {  	[sflag:s20] =	ssyncset.done $0x0  }
0x40: {  	s28 =	sadd.s32 $0xF0, s28;
	[sflag:s20] =	ssyncadd.s32 $0xFFFFD800  }
0x41: {  	[tilespmem:s16], [sflag:$0x2] =	stream.indirect.gather [hbm4b:s4+s14], $0x80, s28, s14, $0xb8;
	[tilespmem:$0x1D6A0] =	vst v63  }
0x42: {  	_ =	swait.ge [sflag:s17], $0x2800  }
0x43: {  	[sflag:s17] =	ssyncset.done $0x0  }
0x44: {  	[sflag:s17] =	ssyncadd.s32 $0xFFFFD800  }
0x45: {  	[spmem:s2] =	stream.indirect.scatter.add.f32 [tilespmem:s15], [sflag:$0x3], $0x80, s21, s14, $0xb8;
	[tilespmem:$0x1D6A0] =	vst v63  }
0x46: {  	_ =	swait.ge [sflag:s18], $0x2800  }
0x47: {  	[sflag:s18] =	ssyncset.done $0x0  }
0x48: {  	[sflag:s18] =	ssyncadd.s32 $0xFFFFD800  }
0x49: {  	[tilespmem:s15], [sflag:$0x1] =	stream.indirect.gather [hbm4b:s4+s14], $0x80, s22, s14, $0xb8;
	[tilespmem:$0x1D6A0] =	vst v63  }
0x4a: {  	_ =	swait.ge [sflag:s19], $0x2800  }
0x4b: {  	[sflag:s19] =	ssyncset.done $0x0  }
0x4c: {  	[sflag:s19] =	ssyncadd.s32 $0xFFFFD800  }
0x4d: {  	[spmem:s2] =	stream.indirect.scatter.add.f32 [tilespmem:s16], [sflag:$0x4], $0x80, s23, s14, $0xb8;
	[tilespmem:$0x1D6A0] =	vst v63  }
0x4e: {  	_ =	swait.ge [sflag:s20], $0x2800  }
0x4f: {  	[sflag:s20] =	ssyncset.done $0x0  }
0x50: {  	[sflag:s20] =	ssyncadd.s32 $0xFFFFD800  }
0x51: {  	_ =	swait.ge [sflag:s17], $0x2800  }
0x52: {  	[sflag:s17] =	ssyncset.done $0x0  }
0x53: {  	[sflag:s17] =	ssyncadd.s32 $0xFFFFD800  }
0x54: {  	[spmem:s2] =	stream.indirect.scatter.add.f32 [tilespmem:s15], [sflag:$0x3], $0x80, s24, s14, $0xb8;
	[tilespmem:$0x1D6A0] =	vst v63  }
0x55: {  	_ =	swait.ge [sflag:s18], $0x2800  }
0x56: {  	s25 =	sadd.s32 $0x1, s25;
	[sflag:s18] =	ssyncset.done $0x0  }
0x57: {  	p0 =	sne.s32 s25, s9;
	[sflag:s18] =	ssyncadd.s32 $0xFFFFD800  }
.Ltmp1:
0x58: {  	[bflag:$0x0] =	sbarrier.arrive $0xFFFF;
	(pc) =	sbr.rel @p0 .LBB2_1-.Ltmp1, $4  }
0x59: {  	[hbm:s8], [sflag:s12] =	dma.local [spmem:s13], $0x2710  }
0x5a: {  	_ =	swait.ge [sflag:s10], $0x2710  }
0x5b: {  	[sflag:s10] =	ssyncset.done $0x0  }
0x5c: {  	[sflag:s10] =	ssyncadd.s32 $0xFFFFD8F0  }
0x5d: {  	_ =	sfence.sel $0x180000  }
0x5e: {  	[bflag:$0x0] =	sbarrier.arrive $0xFFFF  }
0x5f: {  	p0 =	sne.s32 s0, $0x0;
	_ =	strace $0x9000004A  }
0x60: {  	s0 =	sadd.s32 @!p0 $0x100000, s1;
	[bflag:$0x2] =	sbarrier.arrive $0xFFFF  }
0x61: {  	[sflag:s0] =	ssyncadd.tile.s32 @!p0 $0x1;
	_ =	shalt  }
.Lfunc_end2:
_tile_overlayer_lowered:
.L_overlay_start_2:
0x62: {  	(tag) =	ssettag $0x2  }
0x63: {  	s0 =	rddreg [dreg:$0x0];
	s2 =	stileid.u32  }
0x64: {  	s1 =	rddreg [dreg:$0x1];
	p0 =	sne.s32 s2, $0x0  }
0x65: {  	s3 =	rddreg [dreg:$0x2];
	[bflag:$0x3] =	sbarrier.arrive $0xFFFF;
	s2 =	simm.s32 @!p0 $0x1C05  }
0x66: {  	[timem:s3], [sflag:s2] =	dma.local @!p0 [hbm:s0], s1  }
0x67: {  	s0 =	simm.s32 @!p0 $0x5  }
0x68: {  	_ =	swait.ge @!p0 [sflag:s0], s1  }
0x69: {  	s1 =	ssub.s32 @!p0 $0x0, s1;
	[sflag:s0] =	ssyncset.done @!p0 $0x0  }
0x6a: {  	[sflag:s0] =	ssyncadd.s32 @!p0 s1  }
0x6b: {  	[bflag:$0x3] =	sbarrier.arrive $0xFFFF  }
0x6c: {  	_ =	shalt  }

// kernel: kernel.14.cloned.1.call-start
scs
__scs_entry_jumppad:
0x0: {  	(pc) =	sbr.rel $0x88, $3  }
0x1: {  	(tag) =	ssettag $0x0;
	lr =	simm.s32 $0x1  }
0x2: {  	[smem:$0x3F9B] =	sst lr;
	_ =	strace $0xD0000000  }
0x3: {  	_ = 	snop  }
0x4: {  	_ = 	snop  }
0x5: {  	_ = 	snop  }
0x6: {  	_ = 	snop  }
0x7: {  	_ = 	snop  }
__scs_overlays_trampoline_lowered:
0x8: {  	[smem:$0x3FAA] =	sst s0  }
0x9: {  	[smem:$0x3FAB] =	sst s1  }
0xa: {  	[smem:$0x3FAC] =	sst s2  }
0xb: {  	[smem:$0x3FAD] =	sst s3  }
0xc: {  	[smem:$0x3FAE] =	sst s4  }
0xd: {  	[smem:$0x3FAF] =	sst s5  }
0xe: {  	[smem:$0x3FB0] =	sst s6  }
0xf: {  	[smem:$0x3FB1] =	sst s7  }
0x10: {  	[smem:$0x3FB2] =	sst s8  }
0x11: {  	[smem:$0x3FB3] =	sst s9;
	s0 =	simm.s32 @!p0 $0x0  }
0x12: {  	s1 =	sld [smem:$0x3F99];
	s0 =	simm.s32 @p0 $0x1  }
0x13: {  	[smem:$0x3FB4] =	sst s0;
	s0 =	simm.s32 @!p1 $0x0  }
0x14: {  	s2 =	sld [smem:$0x3F98];
	s0 =	simm.s32 @p1 $0x1  }
0x15: {  	[smem:$0x3FB5] =	sst s0;
	s0 =	simm.s32 @!p2 $0x0  }
0x16: {  	s3 =	sld [smem:$0x3FDB];
	s0 =	simm.s32 @p2 $0x1  }
0x17: {  	s4 =	simm.s32 $0x1BF5;
	[smem:$0x3FB7] =	sst s0  }
0x18: {  	s0 =	sld [smem:$0x3F9A];
	_ =	swait.ge [sflag:s4], $0x0  }
0x19: {  	s7 =	sld [smem:$0x3F9B]  }
0x1a: {  	s8 =	sadd.s32 $0xFFFFE003, lr  }
0x1b: {  	s9 =	sadd.s32 $0xFFFFFEF7, lr;
	s5 =	simm.s32 $0xFFFFFFFF;
	p2 =	slt.u32 s8, $0xFFFFF086  }
0x1c: {  	p1 =	slt.u32 s9, $0xF7A;
	s5 =	simm.s32 @!p2 $0x0  }
0x1d: {  	s5 =	simm.s32 @p1 $0x1;
	p0 =	seq.s32 s7, s2  }
0x1e: {  	s7 =	smul.u32 @!p0 $0xF7A, s2;
	p2 =	seq.s32 @!p0 s5, $0x0  }
0x1f: {  	s9 =	smul.u32 $0xF7A, s1;
	s8 =	simm.s32 @!p0 $0x1BF5;
	p2 =	por !p2, p0  }
0x20: {  	[sflag:s8] =	ssyncset.s32 @!p0 $0xFFFFF086;
	s6 =	sadd.s32 @!p0 s3, s7;
	s7 =	simm.s32 @!p0 $0x108  }
0x21: {  	s3 =	sadd.s32 s3, s9;
	s6 =	sadd.s32 @!p0 $0x88, s6;
	s7 =	simm.s32 @p2 $0x1082  }
0x22: {  	[simem:s7], [sflag:s8] =	dma.local @!p0 [hbm:s6], $0xF7A  }
0x23: {  	s9 =	sor.u32 $0xD0000000, s2;
	s6 =	simm.s32 $0x108;
	_ =	swait.ge @!p0 [sflag:s8], $0x0  }
0x24: {  	s3 =	sadd.s32 $0x88, s3;
	s6 =	simm.s32 @!p1 $0x1082;
	[sflag:s4] =	ssyncset.s32 $0xFFFFF086  }
0x25: {  	[simem:s6], [sflag:s4] =	dma.local [hbm:s3], $0xF7A  }
0x26: {  	[smem:$0x3F9B] =	sst s1;
	(tag) =	ssettag s2;
	_ =	strace s9  }
0x27: {  	s1 =	sld [smem:$0x3FAB]  }
0x28: {  	s2 =	sld [smem:$0x3FAC]  }
0x29: {  	s4 =	sld [smem:$0x3FAE]  }
0x2a: {  	p0 =	seq.s32 s5, $0x0;
	s5 =	sld [smem:$0x3FAF]  }
0x2b: {  	s6 =	sld [smem:$0x3FB0]  }
0x2c: {  	s7 =	sld [smem:$0x3FB1]  }
0x2d: {  	s3 =	simm.s32 $0x108;
	s8 =	sld [smem:$0x3FB2]  }
0x2e: {  	s3 =	simm.s32 @!p0 $0x1082;
	s9 =	sld [smem:$0x3FB3]  }
0x2f: {  	lr =	sadd.s32 s0, s3;
	s0 =	sld [smem:$0x3FAA]  }
0x30: {  	s3 =	sld [smem:$0x3FAD]  }
0x31: {  	[smem:$0x3FB6] =	sst s10  }
0x32: {  	s10 =	sld [smem:$0x3FB4];
	_ =	sdelay $0x3  }
0x33: {  	p0 =	seq.s32 s10, $0x1;
	s10 =	sld [smem:$0x3FB6];
	_ =	sdelay $0x3  }
0x34: {  	[smem:$0x3FB6] =	sst s10  }
0x35: {  	s10 =	sld [smem:$0x3FB5];
	_ =	sdelay $0x3  }
0x36: {  	p1 =	seq.s32 s10, $0x1;
	s10 =	sld [smem:$0x3FB6];
	_ =	sdelay $0x3  }
0x37: {  	[smem:$0x3FB6] =	sst s10  }
0x38: {  	s10 =	sld [smem:$0x3FB7]  }
0x39: {  	_ = 	snop;
	(pc) =	sbr.ind lr, $3  }
0x3a: {  	_ = 	snop  }
0x3b: {  	_ = 	snop  }
0x3c: {  	p2 =	seq.s32 s10, $0x1;
	s10 =	sld [smem:$0x3FB6]  }
0x3d: {  	_ =	shalt  }
0x3e: {  	_ =	shalt  }
0x3f: {  	_ =	shalt  }
0x40: {  	_ =	shalt  }
0x41: {  	_ =	shalt  }
0x42: {  	_ =	shalt  }
0x43: {  	_ =	shalt  }
0x44: {  	_ =	shalt  }
0x45: {  	_ =	shalt  }
0x46: {  	_ =	shalt  }
0x47: {  	_ =	shalt  }
0x48: {  	_ =	shalt  }
0x49: {  	_ =	shalt  }
0x4a: {  	_ =	shalt  }
0x4b: {  	_ =	shalt  }
0x4c: {  	_ =	shalt  }
0x4d: {  	_ =	shalt  }
0x4e: {  	_ =	shalt  }
0x4f: {  	_ =	shalt  }
0x50: {  	_ =	shalt  }
0x51: {  	_ =	shalt  }
0x52: {  	_ =	shalt  }
0x53: {  	_ =	shalt  }
0x54: {  	_ =	shalt  }
0x55: {  	_ =	shalt  }
0x56: {  	_ =	shalt  }
0x57: {  	_ =	shalt  }
0x58: {  	_ =	shalt  }
0x59: {  	_ =	shalt  }
0x5a: {  	_ =	shalt  }
0x5b: {  	_ =	shalt  }
0x5c: {  	_ =	shalt  }
0x5d: {  	_ =	shalt  }
0x5e: {  	_ =	shalt  }
0x5f: {  	_ =	shalt  }
0x60: {  	_ =	shalt  }
0x61: {  	_ =	shalt  }
0x62: {  	_ =	shalt  }
0x63: {  	_ =	shalt  }
0x64: {  	_ =	shalt  }
0x65: {  	_ =	shalt  }
0x66: {  	_ =	shalt  }
0x67: {  	_ =	shalt  }
0x68: {  	_ =	shalt  }
0x69: {  	_ =	shalt  }
0x6a: {  	_ =	shalt  }
0x6b: {  	_ =	shalt  }
0x6c: {  	_ =	shalt  }
0x6d: {  	_ =	shalt  }
0x6e: {  	_ =	shalt  }
0x6f: {  	_ =	shalt  }
0x70: {  	_ =	shalt  }
0x71: {  	_ =	shalt  }
0x72: {  	_ =	shalt  }
0x73: {  	_ =	shalt  }
0x74: {  	_ =	shalt  }
0x75: {  	_ =	shalt  }
0x76: {  	_ =	shalt  }
0x77: {  	_ =	shalt  }
0x78: {  	_ =	shalt  }
0x79: {  	_ =	shalt  }
0x7a: {  	_ =	shalt  }
0x7b: {  	_ =	shalt  }
0x7c: {  	_ =	shalt  }
0x7d: {  	_ =	shalt  }
0x7e: {  	_ =	shalt  }
0x7f: {  	_ =	shalt  }
0x80: {  	_ =	shalt  }
0x81: {  	_ =	shalt  }
0x82: {  	_ =	shalt  }
0x83: {  	_ =	shalt  }
0x84: {  	_ =	shalt  }
0x85: {  	_ =	shalt  }
0x86: {  	_ =	shalt  }
0x87: {  	_ =	shalt  }
.Lfunc_end0:
.L_simem_size_0:
called_computation.2_lowered:
.L_overlay_start_0:
0x88: {  	s2 =	sld [smem:$0x3FD9]  }
0x89: {  	s3 =	sld [smem:$0x3FFE];
	_ =	sdelay $0x1  }
0x8a: {  	s1 =	srdreg.scid  }
0x8b: {  	s0 =	sand.u32 $0x1, s1  }
0x8c: {  	s17 =	sshll.u32 s0, $0xA;
	s2 =	sadd.s32 s3, s2  }
0x8d: {  	s2 =	sadd.s32 s2, s17  }
0x8e: {  	[smem:$0x3FC2] =	sst s2  }
0x8f: {  	_ = 	snop  }
0x90: {  	s2 =	sld [smem:$0x3FD0];
	(tm) =	ssettm $0x1  }
0x91: {  	s18 =	sld [smem:$0x3FFB];
	_ =	sdelay $0x3  }
0x92: {  	_ =	strace s18  }
0x93: {  	s3 =	sld [smem:$0x3FFC];
	_ =	sdelay $0x3  }
0x94: {  	_ =	strace s3  }
0x95: {  	s3 =	sld [smem:$0x3FFD];
	_ =	sdelay $0x3  }
0x96: {  	_ =	strace s3  }
0x97: {  	_ =	strace $0x8FFFFFFF  }
0x98: {  	s19 =	sld [smem:$0x3FDB];
	_ =	sdelay $0x1  }
0x99: {  	s4 =	simm.s32 $_scs_section_size  }
0x9a: {  	s5 =	simm.s32 $_size__tile_overlayer_lowered;
	s6 =	simm.s32 $_tile_overlayer_lowered  }
0x9b: {  	s22 =	simm.s32 $0x1BFF;
	s21 =	sshll.u32 s6, $0x1;
	s3 =	sadd.s32 s4, s19  }
0x9c: {  	s7 =	simm.s32 $0x0;
	s20 =	sshll.u32 s5, $0x1;
	s5 =	sadd.s32 s21, s3  }
0x9d: {  	[timem:s7], [sflag:s22] =	dma.local [hbm:s5], s20  }
0x9e: {  	_ =	swait.ge [sflag:s22], s20  }
0x9f: {  	s4 =	ssub.s32 $0x0, s20;
	[sflag:s22] =	ssyncset.done $0x0  }
0xa0: {  	[sflag:s22] =	ssyncadd.s32 s4;
	_ =	sdelay $0x1  }
0xa1: {  	s23 =	simm.s32 $0x1B8B  }
0xa2: {  	_ =	swait.ge [sflag:s23], $0x1  }
0xa3: {  	[sflag:s23] =	ssyncset.done $0x0  }
0xa4: {  	s25 =	simm.s32 $0x1B8E;
	s24 =	sld [smem:$0x3FFE];
	[sflag:s23] =	ssyncadd.s32 $0xFFFFFFFF  }
0xa5: {  	s26 =	simm.s32 $execute0_lowered;
	[smem:$0x3FD2] =	sst s25  }
0xa6: {  	s5 =	sshll.u32 s26, $0x1;
	_ =	strace $0x8000004C;
	[dreg:$0x1] =	wrdreg $0xFFFFFFFF  }
0xa7: {  	s28 =	simm.s32 $_size_execute0_lowered;
	s3 =	sadd.s32 s3, s5;
	[dreg:$0x0] =	wrdreg $0x0  }
0xa8: {  	s5 =	sshll.u32 s28, $0x1;
	[dreg:$0x2] =	wrdreg s3  }
0xa9: {  	[dreg:$0x3] =	wrdreg s5  }
0xaa: {  	[dreg:$0x4] =	wrdreg $0xC0  }
0xab: {  	_ =	task [dreg:s7], $0x5FFFF  }
0xac: {  	[dreg:$0x1] =	wrdreg $0xFFFFFFFF  }
0xad: {  	[dreg:$0x0] =	wrdreg $0x60  }
0xae: {  	[dreg:$0x2] =	wrdreg s24  }
0xaf: {  	[dreg:$0x3] =	wrdreg s2  }
0xb0: {  	[dreg:$0x4] =	wrdreg $0x80200  }
0xb1: {  	[dreg:$0x5] =	wrdreg $0x9  }
0xb2: {  	_ =	task.clear_ibuf [dreg:s7], $0x6FFFF;
	_ =	strace $0x9000004C  }
0xb3: {  	s29 =	simm.s32 $0x9;
	_ =	strace $0x8000004E  }
0xb4: {  	_ =	swait.ge [sflag:s29], $0x1  }
0xb5: {  	[sflag:s29] =	ssyncadd.s32 $0xFFFFFFFF  }
0xb6: {  	_ =	strace $0x9000004E  }
0xb7: {  	_ =	sfence  }
0xb8: {  	s30 =	sld [smem:$0x0];
	_ =	sdelay $0x2  }
0xb9: {  	s31 =	sshll.u32 s1, $0xD;
	s1 =	sshrl.u32 s1, $0x2  }
0xba: {  	s3 =	sand.u32 $0x4000, s31;
	s1 =	sadd.s32 s1, s30  }
0xbb: {  	s0 =	sor.u32 s3, s0;
	s1 =	sshll.u32 s1, $0x11  }
0xbc: {  	s0 =	sor.u32 s1, s0  }
0xbd: {  	s0 =	sadd.s32 $0x8F2B, s0  }
0xbe: {  	[sflag:s0] =	ssyncadd.remote.s32 $0x1  }
0xbf: {  	_ =	sfence.sel $0xFFFF  }
0xc0: {  	[dreg:$0x0] =	wrdreg $0xFFFFFFFF;
	(pc) =	sbr.abs _section_cstart, $3  }
0xc1: {  	[dreg:$0x1] =	wrdreg $0xFFFFFFFF  }
0xc2: {  	_ =	task.clear_ibuf [dreg:s7], $0x2FFFF;
	_ =	strace $0x9FFFFFFF  }
0xc3: {  	(tm) =	ssettm $0x7FFFFFFF  }
tec
execute0_lowered:
.L_overlay_start_1:
0x0: {  	(tag) =	ssettag $0x1  }
0x1: {  	s5 =	rddreg [dreg:$0x0]  }
0x2: {  	s7 =	rddreg [dreg:$0x1]  }
0x3: {  	s2 =	rddreg [dreg:$0x2]  }
0x4: {  	s0 =	rddreg [dreg:$0x3];
	s3 =	srdreg.scid  }
0x5: {  	s1 =	stileid.u32;
	s14 =	simm.s32 $0x190;
	s15 =	simm.s32 $0x4E20  }
0x6: {  	s16 =	simm.s32 $0x6720;
	s17 =	simm.s32 $0x1;
	s18 =	simm.s32 $0x3  }
0x7: {  	s19 =	simm.s32 $0x2;
	s20 =	simm.s32 $0x4;
	s21 =	simm.s32 $0x4970  }
0x8: {  	s22 =	simm.s32 $0x2580;
	s23 =	simm.s32 $0x4B00;
	s24 =	simm.s32 $0x4C90  }
0x9: {  	s25 =	simm.s32 $0x0;
	s4 =	sand.u32 $0x1, s3;
	s6 =	sshll.u32 s1, $0x1  }
0xa: {  	s8 =	smul.u32 $0x2710, s1;
	s3 =	simm.s32 $0x0;
	s12 =	sshll.u32 s1, $0x6  }
0xb: {  	s6 =	sor.u32 s4, s6;
	s9 =	smul.u32 $0x27100, s4;
	[smem:$0x7FF] =	sst s3  }
0xc: {  	s10 =	ssub.s32 $0x2, s4;
	s4 =	sadd.s32 $0x64000, s5;
	s12 =	sor.u32 $0x1C05, s12  }
0xd: {  	s6 =	smul.u32 $0x4E2, s6;
	_ =	strace $0x8000004D;
	s11 =	sshrl.u32 s10, $0x1  }
0xe: {  	s31 =	sshrl.u32 s8, $0x3;
	s13 =	sadd.s32 s8, s2;
	s9 =	sadd.s32 s8, s9  }
0xf: {  	s10 =	ssub.s32 s10, s11;
	s7 =	sadd.s32 s7, s31;
	s11 =	simm.s32 $0x2710  }
0x10: {  	s13 =	sshrl.u32 s13, $0x3;
	s6 =	sadd.s32 s6, s5;
	s9 =	sshrl.u32 s9, $0x3  }
0x11: {  	s9 =	sadd.s32 s9, s5;
	s5 =	sadd.s32 $0x2200, s6;
	s6 =	sadd.s32 $0xC000, s6  }
0x12: {  	s8 =	sadd.s32 $0x69000, s9;
	s9 =	smax.u32 s10, $0x1;
	s10 =	simm.s32 $0x5  }
.LBB2_1:
0x13: {  	[tilespmem:s3], [sflag:$0x5] =	stream.linear.gather [hbm4b:s5+s3], $0x2710, $0x38;
	[tilespmem:$0xA730] =	vst v63  }
0x14: {  	_ =	swait.ge [sflag:s10], $0x2710  }
0x15: {  	[sflag:s10] =	ssyncset.done $0x0  }
0x16: {  	[sflag:s10] =	ssyncadd.s32 $0xFFFFD8F0  }
0x17: {  	[tilespmem:s11], [sflag:$0x5] =	stream.linear.gather [hbm4b:s6+s3], $0x2710, $0x38;
	[tilespmem:$0xA730] =	vst v63  }
0x18: {  	_ =	swait.ge [sflag:s10], $0x2710  }
0x19: {  	[sflag:s10] =	ssyncset.done $0x0  }
0x1a: {  	[sflag:s10] =	ssyncadd.s32 $0xFFFFD8F0  }
0x1b: {  	[spmem:s13], [sflag:s12] =	dma.local [hbm:s7], $0x4E2  }
0x1c: {  	_ =	swait.ge [sflag:s10], $0x4E2  }
0x1d: {  	[sflag:s10] =	ssyncset.done $0x0  }
0x1e: {  	[sflag:s10] =	ssyncadd.s32 $0xFFFFFB1E  }
0x1f: {  	[bflag:$0x0] =	sbarrier.arrive $0xFFFF  }
0x20: {  	[tilespmem:s15], [sflag:$0x1] =	stream.indirect.gather [hbm4b:s4+s14], $0x10, s3, s14, $0xb8;
	[tilespmem:$0xA730] =	vst v63  }
0x21: {  	_ = 	snop  }
0x22: {  	[tilespmem:s16], [sflag:$0x2] =	stream.indirect.gather [hbm4b:s4+s14], $0x10, s14, s14, $0xb8;
	[tilespmem:$0xA730] =	vst v63  }
0x23: {  	_ =	swait.ge [sflag:s17], $0x1900  }
0x24: {  	[sflag:s17] =	ssyncset.done $0x0  }
0x25: {  	s26 =	simm.s32 $0x2710;
	[sflag:s17] =	ssyncadd.s32 $0xFFFFE700  }
0x26: {  	[spmem:s2] =	stream.indirect.scatter.add.f32 [tilespmem:s15], [sflag:$0x3], $0x10, s26, s14, $0xb8;
	[tilespmem:$0xA730] =	vst v63  }
0x27: {  	_ =	swait.ge [sflag:s18], $0x1900  }
0x28: {  	[sflag:s18] =	ssyncset.done $0x0  }
0x29: {  	s30 =	simm.s32 $0x320;
	[sflag:s18] =	ssyncadd.s32 $0xFFFFE700  }
0x2a: {  	[tilespmem:s15], [sflag:$0x1] =	stream.indirect.gather [hbm4b:s4+s14], $0x10, s30, s14, $0xb8;
	[tilespmem:$0xA730] =	vst v63  }
0x2b: {  	_ =	swait.ge [sflag:s19], $0x1900  }
0x2c: {  	[sflag:s19] =	ssyncset.done $0x0  }
0x2d: {  	s31 =	simm.s32 $0x28A0;
	[sflag:s19] =	ssyncadd.s32 $0xFFFFE700  }
0x2e: {  	[spmem:s2] =	stream.indirect.scatter.add.f32 [tilespmem:s16], [sflag:$0x4], $0x10, s31, s14, $0xb8;
	[tilespmem:$0xA730] =	vst v63  }
0x2f: {  	_ =	swait.ge [sflag:s20], $0x1900  }
0x30: {  	[sflag:s20] =	ssyncset.done $0x0  }
0x31: {  	s28 =	simm.s32 $0x4B0;
	s26 =	simm.s32 $0xC80;
	[sflag:s20] =	ssyncadd.s32 $0xFFFFE700  }
.LBB2_2:
0x32: {  	[tilespmem:s16], [sflag:$0x2] =	stream.indirect.gather [hbm4b:s4+s14], $0x10, s28, s14, $0xb8;
	[tilespmem:$0xA730] =	vst v63  }
0x33: {  	s28 =	smov.u32 s26  }
0x34: {  	p0 =	sne.s32 s26, $0x7D00;
	s26 =	sadd.s32 $0xC80, s26;
	_ =	swait.ge [sflag:s17], $0x1900  }
0x35: {  	s28 =	sshra.s32 s28, $0x2;
	[sflag:s17] =	ssyncset.done $0x0  }
0x36: {  	s29 =	sadd.s32 $0x2710, s28;
	[sflag:s17] =	ssyncadd.s32 $0xFFFFE700  }
0x37: {  	[spmem:s2] =	stream.indirect.scatter.add.f32 [tilespmem:s15], [sflag:$0x3], $0x10, s29, s14, $0xb8;
	[tilespmem:$0xA730] =	vst v63  }
0x38: {  	_ =	swait.ge [sflag:s18], $0x1900  }
0x39: {  	[sflag:s18] =	ssyncset.done $0x0  }
0x3a: {  	s29 =	sadd.s32 $0x320, s28;
	[sflag:s18] =	ssyncadd.s32 $0xFFFFE700  }
0x3b: {  	[tilespmem:s15], [sflag:$0x1] =	stream.indirect.gather [hbm4b:s4+s14], $0x10, s29, s14, $0xb8;
	[tilespmem:$0xA730] =	vst v63  }
0x3c: {  	_ =	swait.ge [sflag:s19], $0x1900  }
0x3d: {  	[sflag:s19] =	ssyncset.done $0x0  }
.Ltmp0:
0x3e: {  	s29 =	sadd.s32 $0x28A0, s28;
	[sflag:s19] =	ssyncadd.s32 $0xFFFFE700;
	(pc) =	sbr.rel @p0 .LBB2_2-.Ltmp0, $4  }
0x3f: {  	[spmem:s2] =	stream.indirect.scatter.add.f32 [tilespmem:s16], [sflag:$0x4], $0x10, s29, s14, $0xb8;
	[tilespmem:$0xA730] =	vst v63  }
0x40: {  	_ =	swait.ge [sflag:s20], $0x1900  }
0x41: {  	[sflag:s20] =	ssyncset.done $0x0  }
0x42: {  	s28 =	sadd.s32 $0x4B0, s28;
	[sflag:s20] =	ssyncadd.s32 $0xFFFFE700  }
0x43: {  	[tilespmem:s16], [sflag:$0x2] =	stream.indirect.gather [hbm4b:s4+s14], $0x10, s28, s14, $0xb8;
	[tilespmem:$0xA730] =	vst v63  }
0x44: {  	_ =	swait.ge [sflag:s17], $0x1900  }
0x45: {  	[sflag:s17] =	ssyncset.done $0x0  }
0x46: {  	[sflag:s17] =	ssyncadd.s32 $0xFFFFE700  }
0x47: {  	[spmem:s2] =	stream.indirect.scatter.add.f32 [tilespmem:s15], [sflag:$0x3], $0x10, s21, s14, $0xb8;
	[tilespmem:$0xA730] =	vst v63  }
0x48: {  	_ =	swait.ge [sflag:s18], $0x1900  }
0x49: {  	[sflag:s18] =	ssyncset.done $0x0  }
0x4a: {  	[sflag:s18] =	ssyncadd.s32 $0xFFFFE700  }
0x4b: {  	[tilespmem:s15], [sflag:$0x1] =	stream.indirect.gather [hbm4b:s4+s14], $0x10, s22, s14, $0xb8;
	[tilespmem:$0xA730] =	vst v63  }
0x4c: {  	_ =	swait.ge [sflag:s19], $0x1900  }
0x4d: {  	[sflag:s19] =	ssyncset.done $0x0  }
0x4e: {  	[sflag:s19] =	ssyncadd.s32 $0xFFFFE700  }
0x4f: {  	[spmem:s2] =	stream.indirect.scatter.add.f32 [tilespmem:s16], [sflag:$0x4], $0x10, s23, s14, $0xb8;
	[tilespmem:$0xA730] =	vst v63  }
0x50: {  	_ =	swait.ge [sflag:s20], $0x1900  }
0x51: {  	[sflag:s20] =	ssyncset.done $0x0  }
0x52: {  	[sflag:s20] =	ssyncadd.s32 $0xFFFFE700  }
0x53: {  	_ =	swait.ge [sflag:s17], $0x1900  }
0x54: {  	[sflag:s17] =	ssyncset.done $0x0  }
0x55: {  	[sflag:s17] =	ssyncadd.s32 $0xFFFFE700  }
0x56: {  	[spmem:s2] =	stream.indirect.scatter.add.f32 [tilespmem:s15], [sflag:$0x3], $0x10, s24, s14, $0xb8;
	[tilespmem:$0xA730] =	vst v63  }
0x57: {  	_ =	swait.ge [sflag:s18], $0x1900  }
0x58: {  	s25 =	sadd.s32 $0x1, s25;
	[sflag:s18] =	ssyncset.done $0x0  }
0x59: {  	p0 =	sne.s32 s25, s9;
	[sflag:s18] =	ssyncadd.s32 $0xFFFFE700  }
.Ltmp1:
0x5a: {  	[bflag:$0x0] =	sbarrier.arrive $0xFFFF;
	(pc) =	sbr.rel @p0 .LBB2_1-.Ltmp1, $4  }
0x5b: {  	[hbm:s8], [sflag:s12] =	dma.local [spmem:s13], $0x4E2  }
0x5c: {  	_ =	swait.ge [sflag:s10], $0x4E2  }
0x5d: {  	[sflag:s10] =	ssyncset.done $0x0  }
0x5e: {  	[sflag:s10] =	ssyncadd.s32 $0xFFFFFB1E  }
0x5f: {  	_ =	sfence.sel $0x180000  }
0x60: {  	[bflag:$0x0] =	sbarrier.arrive $0xFFFF  }
0x61: {  	p0 =	sne.s32 s1, $0x0;
	_ =	strace $0x9000004D  }
0x62: {  	s0 =	sadd.s32 @!p0 $0x100000, s0;
	[bflag:$0x2] =	sbarrier.arrive $0xFFFF  }
0x63: {  	[sflag:s0] =	ssyncadd.tile.s32 @!p0 $0x1;
	_ =	shalt  }
.Lfunc_end2:
_tile_overlayer_lowered:
.L_overlay_start_2:
0x64: {  	(tag) =	ssettag $0x2  }
0x65: {  	s0 =	rddreg [dreg:$0x0];
	s2 =	stileid.u32  }
0x66: {  	s1 =	rddreg [dreg:$0x1];
	p0 =	sne.s32 s2, $0x0  }
0x67: {  	s3 =	rddreg [dreg:$0x2];
	[bflag:$0x3] =	sbarrier.arrive $0xFFFF;
	s2 =	simm.s32 @!p0 $0x1C05  }
0x68: {  	[timem:s3], [sflag:s2] =	dma.local @!p0 [hbm:s0], s1  }
0x69: {  	s0 =	simm.s32 @!p0 $0x5  }
0x6a: {  	_ =	swait.ge @!p0 [sflag:s0], s1  }
0x6b: {  	s1 =	ssub.s32 @!p0 $0x0, s1;
	[sflag:s0] =	ssyncset.done @!p0 $0x0  }
0x6c: {  	[sflag:s0] =	ssyncadd.s32 @!p0 s1  }
0x6d: {  	[bflag:$0x3] =	sbarrier.arrive $0xFFFF  }
0x6e: {  	_ =	shalt  }

// kernel: kernel.8.cloned.1.call-start
scs
__scs_entry_jumppad:
0x0: {  	(pc) =	sbr.rel $0x88, $3  }
0x1: {  	(tag) =	ssettag $0x0;
	lr =	simm.s32 $0x1  }
0x2: {  	[smem:$0x3F9B] =	sst lr;
	_ =	strace $0xD0000000  }
0x3: {  	_ = 	snop  }
0x4: {  	_ = 	snop  }
0x5: {  	_ = 	snop  }
0x6: {  	_ = 	snop  }
0x7: {  	_ = 	snop  }
__scs_overlays_trampoline_lowered:
0x8: {  	[smem:$0x3FAA] =	sst s0  }
0x9: {  	[smem:$0x3FAB] =	sst s1  }
0xa: {  	[smem:$0x3FAC] =	sst s2  }
0xb: {  	[smem:$0x3FAD] =	sst s3  }
0xc: {  	[smem:$0x3FAE] =	sst s4  }
0xd: {  	[smem:$0x3FAF] =	sst s5  }
0xe: {  	[smem:$0x3FB0] =	sst s6  }
0xf: {  	[smem:$0x3FB1] =	sst s7  }
0x10: {  	[smem:$0x3FB2] =	sst s8  }
0x11: {  	[smem:$0x3FB3] =	sst s9;
	s0 =	simm.s32 @!p0 $0x0  }
0x12: {  	s1 =	sld [smem:$0x3F99];
	s0 =	simm.s32 @p0 $0x1  }
0x13: {  	[smem:$0x3FB4] =	sst s0;
	s0 =	simm.s32 @!p1 $0x0  }
0x14: {  	s2 =	sld [smem:$0x3F98];
	s0 =	simm.s32 @p1 $0x1  }
0x15: {  	[smem:$0x3FB5] =	sst s0;
	s0 =	simm.s32 @!p2 $0x0  }
0x16: {  	s3 =	sld [smem:$0x3FDB];
	s0 =	simm.s32 @p2 $0x1  }
0x17: {  	s4 =	simm.s32 $0x1BF5;
	[smem:$0x3FB7] =	sst s0  }
0x18: {  	s0 =	sld [smem:$0x3F9A];
	_ =	swait.ge [sflag:s4], $0x0  }
0x19: {  	s7 =	sld [smem:$0x3F9B]  }
0x1a: {  	s8 =	sadd.s32 $0xFFFFE003, lr  }
0x1b: {  	s9 =	sadd.s32 $0xFFFFFEF7, lr;
	s5 =	simm.s32 $0xFFFFFFFF;
	p2 =	slt.u32 s8, $0xFFFFF086  }
0x1c: {  	p1 =	slt.u32 s9, $0xF7A;
	s5 =	simm.s32 @!p2 $0x0  }
0x1d: {  	s5 =	simm.s32 @p1 $0x1;
	p0 =	seq.s32 s7, s2  }
0x1e: {  	s7 =	smul.u32 @!p0 $0xF7A, s2;
	p2 =	seq.s32 @!p0 s5, $0x0  }
0x1f: {  	s9 =	smul.u32 $0xF7A, s1;
	s8 =	simm.s32 @!p0 $0x1BF5;
	p2 =	por !p2, p0  }
0x20: {  	[sflag:s8] =	ssyncset.s32 @!p0 $0xFFFFF086;
	s6 =	sadd.s32 @!p0 s3, s7;
	s7 =	simm.s32 @!p0 $0x108  }
0x21: {  	s3 =	sadd.s32 s3, s9;
	s6 =	sadd.s32 @!p0 $0x88, s6;
	s7 =	simm.s32 @p2 $0x1082  }
0x22: {  	[simem:s7], [sflag:s8] =	dma.local @!p0 [hbm:s6], $0xF7A  }
0x23: {  	s9 =	sor.u32 $0xD0000000, s2;
	s6 =	simm.s32 $0x108;
	_ =	swait.ge @!p0 [sflag:s8], $0x0  }
0x24: {  	s3 =	sadd.s32 $0x88, s3;
	s6 =	simm.s32 @!p1 $0x1082;
	[sflag:s4] =	ssyncset.s32 $0xFFFFF086  }
0x25: {  	[simem:s6], [sflag:s4] =	dma.local [hbm:s3], $0xF7A  }
0x26: {  	[smem:$0x3F9B] =	sst s1;
	(tag) =	ssettag s2;
	_ =	strace s9  }
0x27: {  	s1 =	sld [smem:$0x3FAB]  }
0x28: {  	s2 =	sld [smem:$0x3FAC]  }
0x29: {  	s4 =	sld [smem:$0x3FAE]  }
0x2a: {  	p0 =	seq.s32 s5, $0x0;
	s5 =	sld [smem:$0x3FAF]  }
0x2b: {  	s6 =	sld [smem:$0x3FB0]  }
0x2c: {  	s7 =	sld [smem:$0x3FB1]  }
0x2d: {  	s3 =	simm.s32 $0x108;
	s8 =	sld [smem:$0x3FB2]  }
0x2e: {  	s3 =	simm.s32 @!p0 $0x1082;
	s9 =	sld [smem:$0x3FB3]  }
0x2f: {  	lr =	sadd.s32 s0, s3;
	s0 =	sld [smem:$0x3FAA]  }
0x30: {  	s3 =	sld [smem:$0x3FAD]  }
0x31: {  	[smem:$0x3FB6] =	sst s10  }
0x32: {  	s10 =	sld [smem:$0x3FB4];
	_ =	sdelay $0x3  }
0x33: {  	p0 =	seq.s32 s10, $0x1;
	s10 =	sld [smem:$0x3FB6];
	_ =	sdelay $0x3  }
0x34: {  	[smem:$0x3FB6] =	sst s10  }
0x35: {  	s10 =	sld [smem:$0x3FB5];
	_ =	sdelay $0x3  }
0x36: {  	p1 =	seq.s32 s10, $0x1;
	s10 =	sld [smem:$0x3FB6];
	_ =	sdelay $0x3  }
0x37: {  	[smem:$0x3FB6] =	sst s10  }
0x38: {  	s10 =	sld [smem:$0x3FB7]  }
0x39: {  	_ = 	snop;
	(pc) =	sbr.ind lr, $3  }
0x3a: {  	_ = 	snop  }
0x3b: {  	_ = 	snop  }
0x3c: {  	p2 =	seq.s32 s10, $0x1;
	s10 =	sld [smem:$0x3FB6]  }
0x3d: {  	_ =	shalt  }
0x3e: {  	_ =	shalt  }
0x3f: {  	_ =	shalt  }
0x40: {  	_ =	shalt  }
0x41: {  	_ =	shalt  }
0x42: {  	_ =	shalt  }
0x43: {  	_ =	shalt  }
0x44: {  	_ =	shalt  }
0x45: {  	_ =	shalt  }
0x46: {  	_ =	shalt  }
0x47: {  	_ =	shalt  }
0x48: {  	_ =	shalt  }
0x49: {  	_ =	shalt  }
0x4a: {  	_ =	shalt  }
0x4b: {  	_ =	shalt  }
0x4c: {  	_ =	shalt  }
0x4d: {  	_ =	shalt  }
0x4e: {  	_ =	shalt  }
0x4f: {  	_ =	shalt  }
0x50: {  	_ =	shalt  }
0x51: {  	_ =	shalt  }
0x52: {  	_ =	shalt  }
0x53: {  	_ =	shalt  }
0x54: {  	_ =	shalt  }
0x55: {  	_ =	shalt  }
0x56: {  	_ =	shalt  }
0x57: {  	_ =	shalt  }
0x58: {  	_ =	shalt  }
0x59: {  	_ =	shalt  }
0x5a: {  	_ =	shalt  }
0x5b: {  	_ =	shalt  }
0x5c: {  	_ =	shalt  }
0x5d: {  	_ =	shalt  }
0x5e: {  	_ =	shalt  }
0x5f: {  	_ =	shalt  }
0x60: {  	_ =	shalt  }
0x61: {  	_ =	shalt  }
0x62: {  	_ =	shalt  }
0x63: {  	_ =	shalt  }
0x64: {  	_ =	shalt  }
0x65: {  	_ =	shalt  }
0x66: {  	_ =	shalt  }
0x67: {  	_ =	shalt  }
0x68: {  	_ =	shalt  }
0x69: {  	_ =	shalt  }
0x6a: {  	_ =	shalt  }
0x6b: {  	_ =	shalt  }
0x6c: {  	_ =	shalt  }
0x6d: {  	_ =	shalt  }
0x6e: {  	_ =	shalt  }
0x6f: {  	_ =	shalt  }
0x70: {  	_ =	shalt  }
0x71: {  	_ =	shalt  }
0x72: {  	_ =	shalt  }
0x73: {  	_ =	shalt  }
0x74: {  	_ =	shalt  }
0x75: {  	_ =	shalt  }
0x76: {  	_ =	shalt  }
0x77: {  	_ =	shalt  }
0x78: {  	_ =	shalt  }
0x79: {  	_ =	shalt  }
0x7a: {  	_ =	shalt  }
0x7b: {  	_ =	shalt  }
0x7c: {  	_ =	shalt  }
0x7d: {  	_ =	shalt  }
0x7e: {  	_ =	shalt  }
0x7f: {  	_ =	shalt  }
0x80: {  	_ =	shalt  }
0x81: {  	_ =	shalt  }
0x82: {  	_ =	shalt  }
0x83: {  	_ =	shalt  }
0x84: {  	_ =	shalt  }
0x85: {  	_ =	shalt  }
0x86: {  	_ =	shalt  }
0x87: {  	_ =	shalt  }
.Lfunc_end0:
.L_simem_size_0:
called_computation_lowered:
.L_overlay_start_0:
0x88: {  	s2 =	sld [smem:$0x3FD9]  }
0x89: {  	s3 =	sld [smem:$0x3FFE];
	_ =	sdelay $0x1  }
0x8a: {  	s1 =	srdreg.scid  }
0x8b: {  	s0 =	sand.u32 $0x1, s1  }
0x8c: {  	s17 =	sshll.u32 s0, $0xA;
	s2 =	sadd.s32 s3, s2  }
0x8d: {  	s2 =	sadd.s32 s2, s17  }
0x8e: {  	[smem:$0x3FC2] =	sst s2  }
0x8f: {  	_ = 	snop  }
0x90: {  	s2 =	sld [smem:$0x3FD0];
	(tm) =	ssettm $0x1  }
0x91: {  	s18 =	sld [smem:$0x3FFB];
	_ =	sdelay $0x3  }
0x92: {  	_ =	strace s18  }
0x93: {  	s3 =	sld [smem:$0x3FFC];
	_ =	sdelay $0x3  }
0x94: {  	_ =	strace s3  }
0x95: {  	s3 =	sld [smem:$0x3FFD];
	_ =	sdelay $0x3  }
0x96: {  	_ =	strace s3  }
0x97: {  	_ =	strace $0x8FFFFFFF  }
0x98: {  	s19 =	sld [smem:$0x3FDB];
	_ =	sdelay $0x1  }
0x99: {  	s4 =	simm.s32 $_scs_section_size  }
0x9a: {  	s5 =	simm.s32 $_size__tile_overlayer_lowered;
	s6 =	simm.s32 $_tile_overlayer_lowered  }
0x9b: {  	s22 =	simm.s32 $0x1BFF;
	s21 =	sshll.u32 s6, $0x1;
	s3 =	sadd.s32 s4, s19  }
0x9c: {  	s7 =	simm.s32 $0x0;
	s20 =	sshll.u32 s5, $0x1;
	s5 =	sadd.s32 s21, s3  }
0x9d: {  	[timem:s7], [sflag:s22] =	dma.local [hbm:s5], s20  }
0x9e: {  	_ =	swait.ge [sflag:s22], s20  }
0x9f: {  	s4 =	ssub.s32 $0x0, s20;
	[sflag:s22] =	ssyncset.done $0x0  }
0xa0: {  	[sflag:s22] =	ssyncadd.s32 s4;
	_ =	sdelay $0x1  }
0xa1: {  	s23 =	simm.s32 $0x1B8B  }
0xa2: {  	_ =	swait.ge [sflag:s23], $0x1  }
0xa3: {  	[sflag:s23] =	ssyncset.done $0x0  }
0xa4: {  	s25 =	simm.s32 $0x1B8E;
	s24 =	sld [smem:$0x3FFE];
	[sflag:s23] =	ssyncadd.s32 $0xFFFFFFFF  }
0xa5: {  	s26 =	simm.s32 $execute0_lowered;
	[smem:$0x3FD2] =	sst s25  }
0xa6: {  	s5 =	sshll.u32 s26, $0x1;
	_ =	strace $0x80000046;
	[dreg:$0x1] =	wrdreg $0xFFFFFFFF  }
0xa7: {  	s28 =	simm.s32 $_size_execute0_lowered;
	s3 =	sadd.s32 s3, s5;
	[dreg:$0x0] =	wrdreg $0x0  }
0xa8: {  	s5 =	sshll.u32 s28, $0x1;
	[dreg:$0x2] =	wrdreg s3  }
0xa9: {  	[dreg:$0x3] =	wrdreg s5  }
0xaa: {  	[dreg:$0x4] =	wrdreg $0xC0  }
0xab: {  	_ =	task [dreg:s7], $0x5FFFF  }
0xac: {  	[dreg:$0x1] =	wrdreg $0xFFFFFFFF  }
0xad: {  	[dreg:$0x0] =	wrdreg $0x60  }
0xae: {  	[dreg:$0x2] =	wrdreg s24  }
0xaf: {  	[dreg:$0x3] =	wrdreg s2  }
0xb0: {  	[dreg:$0x4] =	wrdreg $0x40100  }
0xb1: {  	[dreg:$0x5] =	wrdreg $0x9  }
0xb2: {  	_ =	task.clear_ibuf [dreg:s7], $0x6FFFF;
	_ =	strace $0x90000046  }
0xb3: {  	s29 =	simm.s32 $0x9;
	_ =	strace $0x80000048  }
0xb4: {  	_ =	swait.ge [sflag:s29], $0x1  }
0xb5: {  	[sflag:s29] =	ssyncadd.s32 $0xFFFFFFFF  }
0xb6: {  	_ =	strace $0x90000048  }
0xb7: {  	_ =	sfence  }
0xb8: {  	s30 =	sld [smem:$0x0];
	_ =	sdelay $0x2  }
0xb9: {  	s31 =	sshll.u32 s1, $0xD;
	s1 =	sshrl.u32 s1, $0x2  }
0xba: {  	s3 =	sand.u32 $0x4000, s31;
	s1 =	sadd.s32 s1, s30  }
0xbb: {  	s0 =	sor.u32 s3, s0;
	s1 =	sshll.u32 s1, $0x11  }
0xbc: {  	s0 =	sor.u32 s1, s0  }
0xbd: {  	s0 =	sadd.s32 $0x8F2B, s0  }
0xbe: {  	[sflag:s0] =	ssyncadd.remote.s32 $0x1  }
0xbf: {  	_ =	sfence.sel $0xFFFF  }
0xc0: {  	[dreg:$0x0] =	wrdreg $0xFFFFFFFF;
	(pc) =	sbr.abs _section_cstart, $3  }
0xc1: {  	[dreg:$0x1] =	wrdreg $0xFFFFFFFF  }
0xc2: {  	_ =	task.clear_ibuf [dreg:s7], $0x2FFFF;
	_ =	strace $0x9FFFFFFF  }
0xc3: {  	(tm) =	ssettm $0x7FFFFFFF  }
tec
execute0_lowered:
.L_overlay_start_1:
0x0: {  	(tag) =	ssettag $0x1  }
0x1: {  	s0 =	rddreg [dreg:$0x0]  }
0x2: {  	s1 =	rddreg [dreg:$0x1]  }
0x3: {  	s2 =	rddreg [dreg:$0x2]  }
0x4: {  	s3 =	srdreg.scid;
	s9 =	stileid.u32;
	s11 =	simm.s32 $0x190  }
0x5: {  	s12 =	simm.s32 $0x2710;
	s20 =	simm.s32 $0xE10;
	s21 =	simm.s32 $0xFA0  }
0x6: {  	s22 =	simm.s32 $0x1130;
	s23 =	simm.s32 $0x12C0;
	s28 =	simm.s32 $0x1900  }
0x7: {  	s29 =	simm.s32 $0x1A90;
	s30 =	simm.s32 $0x1C20;
	s31 =	simm.s32 $0x1DB0  }
0x8: {  	s13 =	simm.s32 $0x2260;
	s14 =	simm.s32 $0x23F0;
	s15 =	simm.s32 $0x2580  }
0x9: {  	s16 =	simm.s32 $0x1;
	s17 =	simm.s32 $0x0;
	s4 =	sand.u32 $0x1, s3  }
0xa: {  	s5 =	sshll.u32 s9, $0x1;
	s6 =	smul.u32 $0x2710, s9;
	s3 =	simm.s32 $0x0  }
0xb: {  	s26 =	sshll.u32 s9, $0x6;
	s5 =	sor.u32 s4, s5;
	s7 =	smul.u32 $0x27100, s4  }
0xc: {  	[smem:$0x7FF] =	sst s3;
	s4 =	ssub.s32 $0x2, s4;
	s9 =	sor.u32 $0x1C02, s26  }
0xd: {  	s26 =	simm.s32 $0x1770;
	s5 =	smul.u32 $0x4E2, s5;
	_ =	strace $0x80000047  }
0xe: {  	s8 =	sshrl.u32 s4, $0x1;
	s25 =	sshrl.u32 s6, $0x3;
	s10 =	sadd.s32 s6, s2  }
0xf: {  	s7 =	sadd.s32 s6, s7;
	s24 =	ssub.s32 s4, s8;
	s8 =	simm.s32 $0x2  }
0x10: {  	s10 =	sshrl.u32 s10, $0x3;
	s5 =	sadd.s32 s5, s0;
	s7 =	sshrl.u32 s7, $0x3  }
0x11: {  	s0 =	sadd.s32 s7, s0;
	s4 =	sadd.s32 $0xC000, s5;
	s5 =	sadd.s32 s1, s25  }
0x12: {  	s7 =	smax.u32 s24, $0x1;
	s24 =	simm.s32 $0x1450;
	s25 =	simm.s32 $0x15E0  }
0x13: {  	v0 =	vimm.f32 $1.000000000e+00;
	s1 =	simm.s32 $0x20D0;
	s6 =	sadd.s32 $0x15E00, s0;
	s0 =	simm.s32 $0x1F40  }
.LBB2_1:
0x14: {  	[tilespmem:s3], [sflag:$0x2] =	stream.linear.gather [hbm4b:s4+s3], $0x2710, $0x38;
	[tilespmem:$0x6720] =	vst v63  }
0x15: {  	_ =	swait.ge [sflag:s8], $0x2710  }
0x16: {  	[sflag:s8] =	ssyncset.done $0x0  }
0x17: {  	s18 =	simm.s32 $0x40;
	s19 =	simm.s32 $0x0;
	[sflag:s8] =	ssyncadd.s32 $0xFFFFD8F0  }
.LBB2_2:
0x18: {  	p0 =	sne.s32 s18, $0x63C0;
	[tilespmem:s19+$0x2710] =	vst v0;
	s19 =	smov.u32 s18;
	s18 =	sadd.s32 $0x40, s18  }
.Ltmp0:
0x19: {  	(pc) =	sbr.rel @p0 .LBB2_2-.Ltmp0, $2  }
0x1a: {  	_ =	sdelay $0x2  }
0x1b: {  	s19 =	sshra.s32 s19, $0x2  }
0x1c: {  	[tilespmem:s19+$0x2710] =	vst v0  }
0x1d: {  	[spmem:s10], [sflag:s9] =	dma.local [hbm:s5], $0x4E2  }
0x1e: {  	_ =	swait.ge [sflag:s8], $0x4E2  }
0x1f: {  	[sflag:s8] =	ssyncset.done $0x0  }
0x20: {  	[sflag:s8] =	ssyncadd.s32 $0xFFFFFB1E  }
0x21: {  	[bflag:$0x0] =	sbarrier.arrive $0xFFFF  }
0x22: {  	[spmem:s2] =	stream.indirect.scatter.add.f32 [tilespmem:s12], [sflag:$0x1], $0x10, s3, s11, $0xb8;
	[tilespmem:$0x6720] =	vst v63  }
0x23: {  	_ = 	snop  }
0x24: {  	[spmem:s2] =	stream.indirect.scatter.add.f32 [tilespmem:s12], [sflag:$0x1], $0x10, s11, s11, $0xb8;
	[tilespmem:$0x6720] =	vst v63  }
0x25: {  	s18 =	simm.s32 $0x320  }
0x26: {  	[spmem:s2] =	stream.indirect.scatter.add.f32 [tilespmem:s12], [sflag:$0x1], $0x10, s18, s11, $0xb8;
	[tilespmem:$0x6720] =	vst v63  }
0x27: {  	s19 =	simm.s32 $0x4B0  }
0x28: {  	[spmem:s2] =	stream.indirect.scatter.add.f32 [tilespmem:s12], [sflag:$0x1], $0x10, s19, s11, $0xb8;
	[tilespmem:$0x6720] =	vst v63  }
0x29: {  	s19 =	simm.s32 $0x640  }
0x2a: {  	[spmem:s2] =	stream.indirect.scatter.add.f32 [tilespmem:s12], [sflag:$0x1], $0x10, s19, s11, $0xb8;
	[tilespmem:$0x6720] =	vst v63  }
0x2b: {  	s19 =	simm.s32 $0x7D0  }
0x2c: {  	[spmem:s2] =	stream.indirect.scatter.add.f32 [tilespmem:s12], [sflag:$0x1], $0x10, s19, s11, $0xb8;
	[tilespmem:$0x6720] =	vst v63  }
0x2d: {  	s19 =	simm.s32 $0x960  }
0x2e: {  	[spmem:s2] =	stream.indirect.scatter.add.f32 [tilespmem:s12], [sflag:$0x1], $0x10, s19, s11, $0xb8;
	[tilespmem:$0x6720] =	vst v63  }
0x2f: {  	s19 =	simm.s32 $0xAF0  }
0x30: {  	[spmem:s2] =	stream.indirect.scatter.add.f32 [tilespmem:s12], [sflag:$0x1], $0x10, s19, s11, $0xb8;
	[tilespmem:$0x6720] =	vst v63  }
0x31: {  	s19 =	simm.s32 $0xC80  }
0x32: {  	[spmem:s2] =	stream.indirect.scatter.add.f32 [tilespmem:s12], [sflag:$0x1], $0x10, s19, s11, $0xb8;
	[tilespmem:$0x6720] =	vst v63  }
0x33: {  	_ = 	snop  }
0x34: {  	[spmem:s2] =	stream.indirect.scatter.add.f32 [tilespmem:s12], [sflag:$0x1], $0x10, s20, s11, $0xb8;
	[tilespmem:$0x6720] =	vst v63  }
0x35: {  	_ = 	snop  }
0x36: {  	[spmem:s2] =	stream.indirect.scatter.add.f32 [tilespmem:s12], [sflag:$0x1], $0x10, s21, s11, $0xb8;
	[tilespmem:$0x6720] =	vst v63  }
0x37: {  	_ = 	snop  }
0x38: {  	[spmem:s2] =	stream.indirect.scatter.add.f32 [tilespmem:s12], [sflag:$0x1], $0x10, s22, s11, $0xb8;
	[tilespmem:$0x6720] =	vst v63  }
0x39: {  	_ = 	snop  }
0x3a: {  	[spmem:s2] =	stream.indirect.scatter.add.f32 [tilespmem:s12], [sflag:$0x1], $0x10, s23, s11, $0xb8;
	[tilespmem:$0x6720] =	vst v63  }
0x3b: {  	_ = 	snop  }
0x3c: {  	[spmem:s2] =	stream.indirect.scatter.add.f32 [tilespmem:s12], [sflag:$0x1], $0x10, s24, s11, $0xb8;
	[tilespmem:$0x6720] =	vst v63  }
0x3d: {  	_ = 	snop  }
0x3e: {  	[spmem:s2] =	stream.indirect.scatter.add.f32 [tilespmem:s12], [sflag:$0x1], $0x10, s25, s11, $0xb8;
	[tilespmem:$0x6720] =	vst v63  }
0x3f: {  	_ = 	snop  }
0x40: {  	[spmem:s2] =	stream.indirect.scatter.add.f32 [tilespmem:s12], [sflag:$0x1], $0x10, s26, s11, $0xb8;
	[tilespmem:$0x6720] =	vst v63  }
0x41: {  	_ = 	snop  }
0x42: {  	[spmem:s2] =	stream.indirect.scatter.add.f32 [tilespmem:s12], [sflag:$0x1], $0x10, s28, s11, $0xb8;
	[tilespmem:$0x6720] =	vst v63  }
0x43: {  	_ = 	snop  }
0x44: {  	[spmem:s2] =	stream.indirect.scatter.add.f32 [tilespmem:s12], [sflag:$0x1], $0x10, s29, s11, $0xb8;
	[tilespmem:$0x6720] =	vst v63  }
0x45: {  	_ = 	snop  }
0x46: {  	[spmem:s2] =	stream.indirect.scatter.add.f32 [tilespmem:s12], [sflag:$0x1], $0x10, s30, s11, $0xb8;
	[tilespmem:$0x6720] =	vst v63  }
0x47: {  	_ = 	snop  }
0x48: {  	[spmem:s2] =	stream.indirect.scatter.add.f32 [tilespmem:s12], [sflag:$0x1], $0x10, s31, s11, $0xb8;
	[tilespmem:$0x6720] =	vst v63  }
0x49: {  	_ = 	snop  }
0x4a: {  	[spmem:s2] =	stream.indirect.scatter.add.f32 [tilespmem:s12], [sflag:$0x1], $0x10, s0, s11, $0xb8;
	[tilespmem:$0x6720] =	vst v63  }
0x4b: {  	_ = 	snop  }
0x4c: {  	[spmem:s2] =	stream.indirect.scatter.add.f32 [tilespmem:s12], [sflag:$0x1], $0x10, s1, s11, $0xb8;
	[tilespmem:$0x6720] =	vst v63  }
0x4d: {  	_ = 	snop  }
0x4e: {  	[spmem:s2] =	stream.indirect.scatter.add.f32 [tilespmem:s12], [sflag:$0x1], $0x10, s13, s11, $0xb8;
	[tilespmem:$0x6720] =	vst v63  }
0x4f: {  	_ = 	snop  }
0x50: {  	[spmem:s2] =	stream.indirect.scatter.add.f32 [tilespmem:s12], [sflag:$0x1], $0x10, s14, s11, $0xb8;
	[tilespmem:$0x6720] =	vst v63  }
0x51: {  	_ = 	snop  }
0x52: {  	[spmem:s2] =	stream.indirect.scatter.add.f32 [tilespmem:s12], [sflag:$0x1], $0x10, s15, s11, $0xb8;
	[tilespmem:$0x6720] =	vst v63  }
0x53: {  	_ =	swait.ge [sflag:s16], $0x1900  }
0x54: {  	[sflag:s16] =	ssyncset.done $0x0  }
0x55: {  	[sflag:s16] =	ssyncadd.s32 $0xFFFFE700  }
0x56: {  	_ =	swait.ge [sflag:s16], $0x1900  }
0x57: {  	[sflag:s16] =	ssyncset.done $0x0  }
0x58: {  	[sflag:s16] =	ssyncadd.s32 $0xFFFFE700  }
0x59: {  	_ =	swait.ge [sflag:s16], $0x1900  }
0x5a: {  	[sflag:s16] =	ssyncset.done $0x0  }
0x5b: {  	[sflag:s16] =	ssyncadd.s32 $0xFFFFE700  }
0x5c: {  	_ =	swait.ge [sflag:s16], $0x1900  }
0x5d: {  	[sflag:s16] =	ssyncset.done $0x0  }
0x5e: {  	[sflag:s16] =	ssyncadd.s32 $0xFFFFE700  }
0x5f: {  	_ =	swait.ge [sflag:s16], $0x1900  }
0x60: {  	[sflag:s16] =	ssyncset.done $0x0  }
0x61: {  	[sflag:s16] =	ssyncadd.s32 $0xFFFFE700  }
0x62: {  	_ =	swait.ge [sflag:s16], $0x1900  }
0x63: {  	[sflag:s16] =	ssyncset.done $0x0  }
0x64: {  	[sflag:s16] =	ssyncadd.s32 $0xFFFFE700  }
0x65: {  	_ =	swait.ge [sflag:s16], $0x1900  }
0x66: {  	[sflag:s16] =	ssyncset.done $0x0  }
0x67: {  	[sflag:s16] =	ssyncadd.s32 $0xFFFFE700  }
0x68: {  	_ =	swait.ge [sflag:s16], $0x1900  }
0x69: {  	[sflag:s16] =	ssyncset.done $0x0  }
0x6a: {  	[sflag:s16] =	ssyncadd.s32 $0xFFFFE700  }
0x6b: {  	_ =	swait.ge [sflag:s16], $0x1900  }
0x6c: {  	[sflag:s16] =	ssyncset.done $0x0  }
0x6d: {  	[sflag:s16] =	ssyncadd.s32 $0xFFFFE700  }
0x6e: {  	_ =	swait.ge [sflag:s16], $0x1900  }
0x6f: {  	[sflag:s16] =	ssyncset.done $0x0  }
0x70: {  	[sflag:s16] =	ssyncadd.s32 $0xFFFFE700  }
0x71: {  	_ =	swait.ge [sflag:s16], $0x1900  }
0x72: {  	[sflag:s16] =	ssyncset.done $0x0  }
0x73: {  	[sflag:s16] =	ssyncadd.s32 $0xFFFFE700  }
0x74: {  	_ =	swait.ge [sflag:s16], $0x1900  }
0x75: {  	[sflag:s16] =	ssyncset.done $0x0  }
0x76: {  	[sflag:s16] =	ssyncadd.s32 $0xFFFFE700  }
0x77: {  	_ =	swait.ge [sflag:s16], $0x1900  }
0x78: {  	[sflag:s16] =	ssyncset.done $0x0  }
0x79: {  	[sflag:s16] =	ssyncadd.s32 $0xFFFFE700  }
0x7a: {  	_ =	swait.ge [sflag:s16], $0x1900  }
0x7b: {  	[sflag:s16] =	ssyncset.done $0x0  }
0x7c: {  	[sflag:s16] =	ssyncadd.s32 $0xFFFFE700  }
0x7d: {  	_ =	swait.ge [sflag:s16], $0x1900  }
0x7e: {  	[sflag:s16] =	ssyncset.done $0x0  }
0x7f: {  	[sflag:s16] =	ssyncadd.s32 $0xFFFFE700  }
0x80: {  	_ =	swait.ge [sflag:s16], $0x1900  }
0x81: {  	[sflag:s16] =	ssyncset.done $0x0  }
0x82: {  	[sflag:s16] =	ssyncadd.s32 $0xFFFFE700  }
0x83: {  	_ =	swait.ge [sflag:s16], $0x1900  }
0x84: {  	[sflag:s16] =	ssyncset.done $0x0  }
0x85: {  	[sflag:s16] =	ssyncadd.s32 $0xFFFFE700  }
0x86: {  	_ =	swait.ge [sflag:s16], $0x1900  }
0x87: {  	[sflag:s16] =	ssyncset.done $0x0  }
0x88: {  	[sflag:s16] =	ssyncadd.s32 $0xFFFFE700  }
0x89: {  	_ =	swait.ge [sflag:s16], $0x1900  }
0x8a: {  	[sflag:s16] =	ssyncset.done $0x0  }
0x8b: {  	[sflag:s16] =	ssyncadd.s32 $0xFFFFE700  }
0x8c: {  	_ =	swait.ge [sflag:s16], $0x1900  }
0x8d: {  	[sflag:s16] =	ssyncset.done $0x0  }
0x8e: {  	[sflag:s16] =	ssyncadd.s32 $0xFFFFE700  }
0x8f: {  	_ =	swait.ge [sflag:s16], $0x1900  }
0x90: {  	[sflag:s16] =	ssyncset.done $0x0  }
0x91: {  	[sflag:s16] =	ssyncadd.s32 $0xFFFFE700  }
0x92: {  	_ =	swait.ge [sflag:s16], $0x1900  }
0x93: {  	[sflag:s16] =	ssyncset.done $0x0  }
0x94: {  	[sflag:s16] =	ssyncadd.s32 $0xFFFFE700  }
0x95: {  	_ =	swait.ge [sflag:s16], $0x1900  }
0x96: {  	[sflag:s16] =	ssyncset.done $0x0  }
0x97: {  	[sflag:s16] =	ssyncadd.s32 $0xFFFFE700  }
0x98: {  	_ =	swait.ge [sflag:s16], $0x1900  }
0x99: {  	[sflag:s16] =	ssyncset.done $0x0  }
0x9a: {  	[sflag:s16] =	ssyncadd.s32 $0xFFFFE700  }
0x9b: {  	_ =	swait.ge [sflag:s16], $0x1900  }
0x9c: {  	s17 =	sadd.s32 $0x1, s17;
	[sflag:s16] =	ssyncset.done $0x0  }
0x9d: {  	p0 =	sne.s32 s17, s7;
	[sflag:s16] =	ssyncadd.s32 $0xFFFFE700  }
.Ltmp1:
0x9e: {  	[bflag:$0x0] =	sbarrier.arrive $0xFFFF;
	(pc) =	sbr.rel @p0 .LBB2_1-.Ltmp1, $4  }
0x9f: {  	[hbm:s6], [sflag:s9] =	dma.local [spmem:s10], $0x4E2  }
0xa0: {  	_ =	swait.ge [sflag:s8], $0x4E2  }
0xa1: {  	[sflag:s8] =	ssyncset.done $0x0  }
0xa2: {  	[sflag:s8] =	ssyncadd.s32 $0xFFFFFB1E  }
0xa3: {  	_ =	sfence.sel $0x180000  }
0xa4: {  	[bflag:$0x0] =	sbarrier.arrive $0xFFFF  }
0xa5: {  	_ =	strace $0x90000047  }
0xa6: {  	s0 =	stileid.u32;
	[bflag:$0x2] =	sbarrier.arrive $0xFFFF  }
0xa7: {  	p0 =	sne.s32 s0, $0x0;
	s0 =	rddreg [dreg:$0x3]  }
0xa8: {  	s0 =	sadd.s32 @!p0 $0x100000, s0  }
0xa9: {  	[sflag:s0] =	ssyncadd.tile.s32 @!p0 $0x1;
	_ =	shalt  }
.Lfunc_end2:
_tile_overlayer_lowered:
.L_overlay_start_2:
0xaa: {  	(tag) =	ssettag $0x2  }
0xab: {  	s0 =	rddreg [dreg:$0x0];
	s2 =	stileid.u32  }
0xac: {  	s1 =	rddreg [dreg:$0x1];
	p0 =	sne.s32 s2, $0x0  }
0xad: {  	s3 =	rddreg [dreg:$0x2];
	[bflag:$0x3] =	sbarrier.arrive $0xFFFF;
	s2 =	simm.s32 @!p0 $0x1C02  }
0xae: {  	[timem:s3], [sflag:s2] =	dma.local @!p0 [hbm:s0], s1  }
0xaf: {  	s0 =	simm.s32 @!p0 $0x2  }
0xb0: {  	_ =	swait.ge @!p0 [sflag:s0], s1  }
0xb1: {  	s1 =	ssub.s32 @!p0 $0x0, s1;
	[sflag:s0] =	ssyncset.done @!p0 $0x0  }
0xb2: {  	[sflag:s0] =	ssyncadd.s32 @!p0 s1  }
0xb3: {  	[bflag:$0x3] =	sbarrier.arrive $0xFFFF  }
0xb4: {  	_ =	shalt  }

</sc_bundles>
